<compile_context>
chip_gen: v7x
topology: tpu7x:2x2x1
jax: 0.10.2.dev20260603
libtpu: 0.0.44.dev20260713+nightly
codegen_flags: <defaults>
</compile_context>

<pallas_src>
import functools

import jax
import jax.numpy as jnp
from jax import lax
from jax.experimental import pallas as pl
from jax.experimental.pallas import tpu as pltpu
from jax.experimental.pallas import tpu_sc as plsc

_BATCH = 4096
_HIST = 200
_DIM = 64
_N = _BATCH * _HIST

_NC = 2
_NS = 16
_NW = _NC * _NS
_CH = 128
_NCHUNK = _N // (_NW * _CH)
_NBUF = 8
_NGRP = _NCHUNK // _NBUF


def _gather_body(ids_hbm, table_hbm, out_hbm, idx_v, rows, gsems, osems):
    wid = lax.axis_index("s") * _NC + lax.axis_index("c")

    pltpu.sync_copy(ids_hbm.at[wid], idx_v)

    def start_gather(slot, chunk):
        pltpu.async_copy(table_hbm.at[idx_v.at[chunk]], rows[slot], gsems[slot])

    def wait_gather(slot, chunk):
        pltpu.make_async_copy(
            table_hbm.at[idx_v.at[chunk]], rows[slot], gsems[slot]
        ).wait()

    def start_write(slot, chunk):
        base = (wid * _NCHUNK + chunk) * _CH
        pltpu.async_copy(
            rows[slot], out_hbm.at[pl.ds(base, _CH), pl.ds(0, _DIM)],
            osems[slot])

    def wait_write(slot, chunk):
        base = (wid * _NCHUNK + chunk) * _CH
        pltpu.make_async_copy(
            rows[slot], out_hbm.at[pl.ds(base, _CH), pl.ds(0, _DIM)],
            osems[slot]).wait()

    for b in range(_NBUF):
        start_gather(b, b)

    def group(g, _):
        for b in range(_NBUF):
            c = g * _NBUF + b
            wait_gather(b, c)
            start_write(b, c)
            wait_write(b, c)
            start_gather(b, c + _NBUF)
        return _

    lax.fori_loop(0, _NGRP - 1, group, 0, unroll=False)

    g_last = _NGRP - 1
    for b in range(_NBUF):
        c = g_last * _NBUF + b
        wait_gather(b, c)
        start_write(b, c)
        wait_write(b, c)


@functools.partial(jax.jit, donate_argnums=())
def _run(ids3, table):
    mesh = plsc.VectorSubcoreMesh(core_axis_name="c", subcore_axis_name="s")
    f = functools.partial(
        pl.kernel,
        out_type=jax.ShapeDtypeStruct((_N, 2 * _DIM), jnp.float32),
        mesh=mesh,
        scratch_types=[
            pltpu.VMEM((_NCHUNK, _CH), jnp.int32),
            [pltpu.VMEM((_CH, _DIM), jnp.float32) for _ in range(_NBUF)],
            [pltpu.SemaphoreType.DMA for _ in range(_NBUF)],
            [pltpu.SemaphoreType.DMA for _ in range(_NBUF)],
        ],
        compiler_params=pltpu.CompilerParams(use_tc_tiling_on_sc=False),
    )(_gather_body)
    return f(ids3, table)


def kernel(skill_ids, embeddings):
    ids3 = skill_ids.astype(jnp.int32).reshape(_NW, _NCHUNK, _CH)
    out = _run(ids3, embeddings)
    return out[:, :_DIM].reshape(_BATCH, _HIST, _DIM)

# --- scband reference (transcript-rebuilt; emitter-appended) ---
"""Pipeline reference for scband-skill-embedding-8581344657488 (READ-ONLY COPY).

The authoritative reference and input builder live on the scoring server;
editing this copy changes nothing except your own understanding.
"""

import jax, jax.numpy as jnp
import numpy as np

MAX_SKILLS = 1000000
SKILL_DIM = 64
BATCH = 4096
HIST = 200

def setup_inputs(seed: int = 0) -> dict:
    key = jax.random.key(seed)
    k_ids, k_emb = jax.random.split(key)
    skill_ids = jax.random.randint(k_ids, (BATCH, HIST), 0, MAX_SKILLS, dtype=jnp.int64 if jax.config.jax_enable_x64 else jnp.int32)
    embeddings = jax.random.normal(k_emb, (MAX_SKILLS, SKILL_DIM), dtype=jnp.float32) * 0.02
    return {"skill_ids": skill_ids, "embeddings": embeddings}

def reference(skill_ids, embeddings):
    # SkillEmbedding.forward with skill_ids provided: pure gather from the table.
    # (range check omitted: indices are generated in-range; check is not jit-traceable)
    return jnp.take(embeddings, skill_ids, axis=0)

if __name__ == "__main__":
    import jax
    _d = setup_inputs()
    print(jax.jit(kernel)(*tuple(_d.values())))

</pallas_src>

<mosaic_0001>
#map = affine_map<(d0, d1) -> (0, 0, 0)>
#map1 = affine_map<(d0, d1) -> (0, 0)>
module attributes {stable_mosaic.version = 14 : i64} {
  func.func @_gather_body(%arg0: i32, %arg1: i32, %arg2: memref<32x200x128xi32, #tpu.memory_space<hbm>>, %arg3: memref<1000000x64xf32, #tpu.memory_space<hbm>>, %arg4: memref<819200x128xf32, #tpu.memory_space<hbm>>, %arg5: memref<200x128xi32, #tpu.memory_space<vmem>>, %arg6: memref<128x64xf32, #tpu.memory_space<vmem>>, %arg7: memref<128x64xf32, #tpu.memory_space<vmem>>, %arg8: memref<128x64xf32, #tpu.memory_space<vmem>>, %arg9: memref<128x64xf32, #tpu.memory_space<vmem>>, %arg10: memref<128x64xf32, #tpu.memory_space<vmem>>, %arg11: memref<128x64xf32, #tpu.memory_space<vmem>>, %arg12: memref<128x64xf32, #tpu.memory_space<vmem>>, %arg13: memref<128x64xf32, #tpu.memory_space<vmem>>, %arg14: memref<!tpu.dma_semaphore, #tpu.memory_space<semaphore_mem>>, %arg15: memref<!tpu.dma_semaphore, #tpu.memory_space<semaphore_mem>>, %arg16: memref<!tpu.dma_semaphore, #tpu.memory_space<semaphore_mem>>, %arg17: memref<!tpu.dma_semaphore, #tpu.memory_space<semaphore_mem>>, %arg18: memref<!tpu.dma_semaphore, #tpu.memory_space<semaphore_mem>>, %arg19: memref<!tpu.dma_semaphore, #tpu.memory_space<semaphore_mem>>, %arg20: memref<!tpu.dma_semaphore, #tpu.memory_space<semaphore_mem>>, %arg21: memref<!tpu.dma_semaphore, #tpu.memory_space<semaphore_mem>>, %arg22: memref<!tpu.dma_semaphore, #tpu.memory_space<semaphore_mem>>, %arg23: memref<!tpu.dma_semaphore, #tpu.memory_space<semaphore_mem>>, %arg24: memref<!tpu.dma_semaphore, #tpu.memory_space<semaphore_mem>>, %arg25: memref<!tpu.dma_semaphore, #tpu.memory_space<semaphore_mem>>, %arg26: memref<!tpu.dma_semaphore, #tpu.memory_space<semaphore_mem>>, %arg27: memref<!tpu.dma_semaphore, #tpu.memory_space<semaphore_mem>>, %arg28: memref<!tpu.dma_semaphore, #tpu.memory_space<semaphore_mem>>, %arg29: memref<!tpu.dma_semaphore, #tpu.memory_space<semaphore_mem>>) attributes {dimension_semantics = [#tpu.dimension_semantics<core_parallel>, #tpu.dimension_semantics<subcore_parallel>], iteration_bounds = array<i64: 2, 16>, scalar_prefetch = 0 : i64, scratch_operands = 25 : i64, tpu.core_type = #tpu.core_type<sc_vector_subcore>, window_params = [{transform_indices = #map}, {transform_indices = #map1}, {transform_indices = #map1}]} {
    %mul3A = arith.constant 2 : i32
    %mul3A_0 = arith.muli %arg1, %mul3A : i32
    %add3A = arith.addi %mul3A_0, %arg0 : i32
    "tpu.region"() ({
      %run_scoped3A = tpu.sem_alloc : memref<!tpu.dma_semaphore, #tpu.memory_space<semaphore_mem>>
      %dma_start3A_276 = arith.constant 0 : i32
      %dma_start3A_277 = arith.constant 0 : i32
      %dma_start3A_278 = tpu.memref_slice %arg2[%add3A, %dma_start3A_276, %dma_start3A_277] : memref<32x200x128xi32, #tpu.memory_space<hbm>> -> memref<1x200x128xi32, #tpu.memory_space<hbm>>
      %dma_start3A_279 = tpu.memref_squeeze %dma_start3A_278 : memref<1x200x128xi32, #tpu.memory_space<hbm>> -> memref<200x128xi32, #tpu.memory_space<hbm>>
      %dma_start3A_280 = arith.constant 0 : i32
      %dma_start3A_281 = arith.constant 0 : i32
      %dma_start3A_282 = tpu.memref_slice %arg2[%add3A, %dma_start3A_280, %dma_start3A_281] : memref<32x200x128xi32, #tpu.memory_space<hbm>> -> memref<1x200x128xi32, #tpu.memory_space<hbm>>
      %dma_start3A_283 = tpu.memref_squeeze %dma_start3A_282 : memref<1x200x128xi32, #tpu.memory_space<hbm>> -> memref<200x128xi32, #tpu.memory_space<hbm>>
      tpu.enqueue_dma source(%dma_start3A_283 : memref<200x128xi32, #tpu.memory_space<hbm>>) target(%arg5 : memref<200x128xi32, #tpu.memory_space<vmem>>) target_semaphore(%run_scoped3A : memref<!tpu.dma_semaphore, #tpu.memory_space<semaphore_mem>>)
      %dma_wait3A_284 = arith.constant 0 : i32
      %dma_wait3A_285 = arith.constant 0 : i32
      %dma_wait3A_286 = tpu.memref_slice %arg2[%add3A, %dma_wait3A_284, %dma_wait3A_285] : memref<32x200x128xi32, #tpu.memory_space<hbm>> -> memref<1x200x128xi32, #tpu.memory_space<hbm>>
      %dma_wait3A_287 = tpu.memref_squeeze %dma_wait3A_286 : memref<1x200x128xi32, #tpu.memory_space<hbm>> -> memref<200x128xi32, #tpu.memory_space<hbm>>
      %dma_wait3A_288 = arith.constant 0 : i32
      %dma_wait3A_289 = arith.constant 0 : i32
      %dma_wait3A_290 = tpu.memref_slice %arg2[%add3A, %dma_wait3A_288, %dma_wait3A_289] : memref<32x200x128xi32, #tpu.memory_space<hbm>> -> memref<1x200x128xi32, #tpu.memory_space<hbm>>
      %dma_wait3A_291 = tpu.memref_squeeze %dma_wait3A_290 : memref<1x200x128xi32, #tpu.memory_space<hbm>> -> memref<200x128xi32, #tpu.memory_space<hbm>>
      tpu.wait_dma2 semaphore(%run_scoped3A : memref<!tpu.dma_semaphore, #tpu.memory_space<semaphore_mem>>) src(%dma_wait3A_291 : memref<200x128xi32, #tpu.memory_space<hbm>>) dst(%arg5 : memref<200x128xi32, #tpu.memory_space<vmem>>)
      tpu.yield
    }) : () -> ()
    %dma_start3A = arith.constant 0 : i32
    %dma_start3A_1 = arith.constant 0 : i32
    %dma_start3A_2 = tpu.memref_slice %arg5[%dma_start3A, %dma_start3A_1] : memref<200x128xi32, #tpu.memory_space<vmem>> -> memref<1x128xi32, #tpu.memory_space<vmem>>
    %dma_start3A_3 = tpu.memref_squeeze %dma_start3A_2 : memref<1x128xi32, #tpu.memory_space<vmem>> -> memref<128xi32, #tpu.memory_space<vmem>>
    %dma_start3A_4 = arith.constant 0 : i32
    %dma_start3A_5 = arith.constant 0 : i32
    %dma_start3A_6 = tpu.memref_slice %arg3[%dma_start3A_4, %dma_start3A_5] : memref<1000000x64xf32, #tpu.memory_space<hbm>> -> memref<1000000x64xf32, #tpu.memory_space<hbm>>
    tpu.enqueue_indirect_dma source(%dma_start3A_6 : memref<1000000x64xf32, #tpu.memory_space<hbm>>) target(%arg6 : memref<128x64xf32, #tpu.memory_space<vmem>>) offsets(%dma_start3A_3 : memref<128xi32, #tpu.memory_space<vmem>>) semaphore(%arg14 : memref<!tpu.dma_semaphore, #tpu.memory_space<semaphore_mem>>)
    %dma_start3A_7 = arith.constant 1 : i32
    %dma_start3A_8 = arith.constant 0 : i32
    %dma_start3A_9 = tpu.memref_slice %arg5[%dma_start3A_7, %dma_start3A_8] : memref<200x128xi32, #tpu.memory_space<vmem>> -> memref<1x128xi32, #tpu.memory_space<vmem>>
    %dma_start3A_10 = tpu.memref_squeeze %dma_start3A_9 : memref<1x128xi32, #tpu.memory_space<vmem>> -> memref<128xi32, #tpu.memory_space<vmem>>
    %dma_start3A_11 = arith.constant 0 : i32
    %dma_start3A_12 = arith.constant 0 : i32
    %dma_start3A_13 = tpu.memref_slice %arg3[%dma_start3A_11, %dma_start3A_12] : memref<1000000x64xf32, #tpu.memory_space<hbm>> -> memref<1000000x64xf32, #tpu.memory_space<hbm>>
    tpu.enqueue_indirect_dma source(%dma_start3A_13 : memref<1000000x64xf32, #tpu.memory_space<hbm>>) target(%arg7 : memref<128x64xf32, #tpu.memory_space<vmem>>) offsets(%dma_start3A_10 : memref<128xi32, #tpu.memory_space<vmem>>) semaphore(%arg15 : memref<!tpu.dma_semaphore, #tpu.memory_space<semaphore_mem>>)
    %dma_start3A_14 = arith.constant 2 : i32
    %dma_start3A_15 = arith.constant 0 : i32
    %dma_start3A_16 = tpu.memref_slice %arg5[%dma_start3A_14, %dma_start3A_15] : memref<200x128xi32, #tpu.memory_space<vmem>> -> memref<1x128xi32, #tpu.memory_space<vmem>>
    %dma_start3A_17 = tpu.memref_squeeze %dma_start3A_16 : memref<1x128xi32, #tpu.memory_space<vmem>> -> memref<128xi32, #tpu.memory_space<vmem>>
    %dma_start3A_18 = arith.constant 0 : i32
    %dma_start3A_19 = arith.constant 0 : i32
    %dma_start3A_20 = tpu.memref_slice %arg3[%dma_start3A_18, %dma_start3A_19] : memref<1000000x64xf32, #tpu.memory_space<hbm>> -> memref<1000000x64xf32, #tpu.memory_space<hbm>>
    tpu.enqueue_indirect_dma source(%dma_start3A_20 : memref<1000000x64xf32, #tpu.memory_space<hbm>>) target(%arg8 : memref<128x64xf32, #tpu.memory_space<vmem>>) offsets(%dma_start3A_17 : memref<128xi32, #tpu.memory_space<vmem>>) semaphore(%arg16 : memref<!tpu.dma_semaphore, #tpu.memory_space<semaphore_mem>>)
    %dma_start3A_21 = arith.constant 3 : i32
    %dma_start3A_22 = arith.constant 0 : i32
    %dma_start3A_23 = tpu.memref_slice %arg5[%dma_start3A_21, %dma_start3A_22] : memref<200x128xi32, #tpu.memory_space<vmem>> -> memref<1x128xi32, #tpu.memory_space<vmem>>
    %dma_start3A_24 = tpu.memref_squeeze %dma_start3A_23 : memref<1x128xi32, #tpu.memory_space<vmem>> -> memref<128xi32, #tpu.memory_space<vmem>>
    %dma_start3A_25 = arith.constant 0 : i32
    %dma_start3A_26 = arith.constant 0 : i32
    %dma_start3A_27 = tpu.memref_slice %arg3[%dma_start3A_25, %dma_start3A_26] : memref<1000000x64xf32, #tpu.memory_space<hbm>> -> memref<1000000x64xf32, #tpu.memory_space<hbm>>
    tpu.enqueue_indirect_dma source(%dma_start3A_27 : memref<1000000x64xf32, #tpu.memory_space<hbm>>) target(%arg9 : memref<128x64xf32, #tpu.memory_space<vmem>>) offsets(%dma_start3A_24 : memref<128xi32, #tpu.memory_space<vmem>>) semaphore(%arg17 : memref<!tpu.dma_semaphore, #tpu.memory_space<semaphore_mem>>)
    %dma_start3A_28 = arith.constant 4 : i32
    %dma_start3A_29 = arith.constant 0 : i32
    %dma_start3A_30 = tpu.memref_slice %arg5[%dma_start3A_28, %dma_start3A_29] : memref<200x128xi32, #tpu.memory_space<vmem>> -> memref<1x128xi32, #tpu.memory_space<vmem>>
    %dma_start3A_31 = tpu.memref_squeeze %dma_start3A_30 : memref<1x128xi32, #tpu.memory_space<vmem>> -> memref<128xi32, #tpu.memory_space<vmem>>
    %dma_start3A_32 = arith.constant 0 : i32
    %dma_start3A_33 = arith.constant 0 : i32
    %dma_start3A_34 = tpu.memref_slice %arg3[%dma_start3A_32, %dma_start3A_33] : memref<1000000x64xf32, #tpu.memory_space<hbm>> -> memref<1000000x64xf32, #tpu.memory_space<hbm>>
    tpu.enqueue_indirect_dma source(%dma_start3A_34 : memref<1000000x64xf32, #tpu.memory_space<hbm>>) target(%arg10 : memref<128x64xf32, #tpu.memory_space<vmem>>) offsets(%dma_start3A_31 : memref<128xi32, #tpu.memory_space<vmem>>) semaphore(%arg18 : memref<!tpu.dma_semaphore, #tpu.memory_space<semaphore_mem>>)
    %dma_start3A_35 = arith.constant 5 : i32
    %dma_start3A_36 = arith.constant 0 : i32
    %dma_start3A_37 = tpu.memref_slice %arg5[%dma_start3A_35, %dma_start3A_36] : memref<200x128xi32, #tpu.memory_space<vmem>> -> memref<1x128xi32, #tpu.memory_space<vmem>>
    %dma_start3A_38 = tpu.memref_squeeze %dma_start3A_37 : memref<1x128xi32, #tpu.memory_space<vmem>> -> memref<128xi32, #tpu.memory_space<vmem>>
    %dma_start3A_39 = arith.constant 0 : i32
    %dma_start3A_40 = arith.constant 0 : i32
    %dma_start3A_41 = tpu.memref_slice %arg3[%dma_start3A_39, %dma_start3A_40] : memref<1000000x64xf32, #tpu.memory_space<hbm>> -> memref<1000000x64xf32, #tpu.memory_space<hbm>>
    tpu.enqueue_indirect_dma source(%dma_start3A_41 : memref<1000000x64xf32, #tpu.memory_space<hbm>>) target(%arg11 : memref<128x64xf32, #tpu.memory_space<vmem>>) offsets(%dma_start3A_38 : memref<128xi32, #tpu.memory_space<vmem>>) semaphore(%arg19 : memref<!tpu.dma_semaphore, #tpu.memory_space<semaphore_mem>>)
    %dma_start3A_42 = arith.constant 6 : i32
    %dma_start3A_43 = arith.constant 0 : i32
    %dma_start3A_44 = tpu.memref_slice %arg5[%dma_start3A_42, %dma_start3A_43] : memref<200x128xi32, #tpu.memory_space<vmem>> -> memref<1x128xi32, #tpu.memory_space<vmem>>
    %dma_start3A_45 = tpu.memref_squeeze %dma_start3A_44 : memref<1x128xi32, #tpu.memory_space<vmem>> -> memref<128xi32, #tpu.memory_space<vmem>>
    %dma_start3A_46 = arith.constant 0 : i32
    %dma_start3A_47 = arith.constant 0 : i32
    %dma_start3A_48 = tpu.memref_slice %arg3[%dma_start3A_46, %dma_start3A_47] : memref<1000000x64xf32, #tpu.memory_space<hbm>> -> memref<1000000x64xf32, #tpu.memory_space<hbm>>
    tpu.enqueue_indirect_dma source(%dma_start3A_48 : memref<1000000x64xf32, #tpu.memory_space<hbm>>) target(%arg12 : memref<128x64xf32, #tpu.memory_space<vmem>>) offsets(%dma_start3A_45 : memref<128xi32, #tpu.memory_space<vmem>>) semaphore(%arg20 : memref<!tpu.dma_semaphore, #tpu.memory_space<semaphore_mem>>)
    %dma_start3A_49 = arith.constant 7 : i32
    %dma_start3A_50 = arith.constant 0 : i32
    %dma_start3A_51 = tpu.memref_slice %arg5[%dma_start3A_49, %dma_start3A_50] : memref<200x128xi32, #tpu.memory_space<vmem>> -> memref<1x128xi32, #tpu.memory_space<vmem>>
    %dma_start3A_52 = tpu.memref_squeeze %dma_start3A_51 : memref<1x128xi32, #tpu.memory_space<vmem>> -> memref<128xi32, #tpu.memory_space<vmem>>
    %dma_start3A_53 = arith.constant 0 : i32
    %dma_start3A_54 = arith.constant 0 : i32
    %dma_start3A_55 = tpu.memref_slice %arg3[%dma_start3A_53, %dma_start3A_54] : memref<1000000x64xf32, #tpu.memory_space<hbm>> -> memref<1000000x64xf32, #tpu.memory_space<hbm>>
    tpu.enqueue_indirect_dma source(%dma_start3A_55 : memref<1000000x64xf32, #tpu.memory_space<hbm>>) target(%arg13 : memref<128x64xf32, #tpu.memory_space<vmem>>) offsets(%dma_start3A_52 : memref<128xi32, #tpu.memory_space<vmem>>) semaphore(%arg21 : memref<!tpu.dma_semaphore, #tpu.memory_space<semaphore_mem>>)
    %scan3A = arith.constant 0 : i32
    %scan3A_56 = arith.constant 0 : i32
    %scan3A_57 = arith.constant 24 : i32
    %scan3A_58 = arith.addi %scan3A_56, %scan3A_57 : i32
    %scan3A_59 = arith.constant 1 : i32
    scf.for %scan3A_276 = %scan3A_56 to %scan3A_58 step %scan3A_59  : i32 {
      %mul3A_277 = arith.constant 8 : i32
      %mul3A_278 = arith.muli %scan3A_276, %mul3A_277 : i32
      %add3A_279 = arith.constant 0 : i32
      %add3A_280 = arith.addi %mul3A_278, %add3A_279 : i32
      %dma_wait3A_281 = arith.constant 0 : i32
      %dma_wait3A_282 = tpu.memref_slice %arg5[%add3A_280, %dma_wait3A_281] : memref<200x128xi32, #tpu.memory_space<vmem>> -> memref<1x128xi32, #tpu.memory_space<vmem>>
      %dma_wait3A_283 = tpu.memref_squeeze %dma_wait3A_282 : memref<1x128xi32, #tpu.memory_space<vmem>> -> memref<128xi32, #tpu.memory_space<vmem>>
      %dma_wait3A_284 = arith.constant 0 : i32
      %dma_wait3A_285 = arith.constant 0 : i32
      %dma_wait3A_286 = tpu.memref_slice %arg3[%dma_wait3A_284, %dma_wait3A_285] : memref<1000000x64xf32, #tpu.memory_space<hbm>> -> memref<1000000x64xf32, #tpu.memory_space<hbm>>
      tpu.wait_indirect_dma semaphore(%arg14 : memref<!tpu.dma_semaphore, #tpu.memory_space<semaphore_mem>>) src(%dma_wait3A_286 : memref<1000000x64xf32, #tpu.memory_space<hbm>>) dst(%arg6 : memref<128x64xf32, #tpu.memory_space<vmem>>)
      %mul3A_287 = arith.constant 200 : i32
      %mul3A_288 = arith.muli %add3A, %mul3A_287 : i32
      %add3A_289 = arith.addi %mul3A_288, %add3A_280 : i32
      %mul3A_290 = arith.constant 128 : i32
      %mul3A_291 = arith.muli %add3A_289, %mul3A_290 : i32
      %dma_start3A_292 = arith.constant 0 : i32
      %dma_start3A_293 = tpu.memref_slice %arg4[%mul3A_291, %dma_start3A_292] : memref<819200x128xf32, #tpu.memory_space<hbm>> -> memref<128x64xf32, #tpu.memory_space<hbm>>
      %dma_start3A_294 = arith.constant 0 : i32
      %dma_start3A_295 = tpu.memref_slice %arg4[%mul3A_291, %dma_start3A_294] : memref<819200x128xf32, #tpu.memory_space<hbm>> -> memref<128x64xf32, #tpu.memory_space<hbm>>
      tpu.enqueue_dma source(%arg6 : memref<128x64xf32, #tpu.memory_space<vmem>>) target(%dma_start3A_295 : memref<128x64xf32, #tpu.memory_space<hbm>>) target_semaphore(%arg22 : memref<!tpu.dma_semaphore, #tpu.memory_space<semaphore_mem>>)
      %mul3A_296 = arith.constant 200 : i32
      %mul3A_297 = arith.muli %add3A, %mul3A_296 : i32
      %add3A_298 = arith.addi %mul3A_297, %add3A_280 : i32
      %mul3A_299 = arith.constant 128 : i32
      %mul3A_300 = arith.muli %add3A_298, %mul3A_299 : i32
      %dma_wait3A_301 = arith.constant 0 : i32
      %dma_wait3A_302 = tpu.memref_slice %arg4[%mul3A_300, %dma_wait3A_301] : memref<819200x128xf32, #tpu.memory_space<hbm>> -> memref<128x64xf32, #tpu.memory_space<hbm>>
      %dma_wait3A_303 = arith.constant 0 : i32
      %dma_wait3A_304 = tpu.memref_slice %arg4[%mul3A_300, %dma_wait3A_303] : memref<819200x128xf32, #tpu.memory_space<hbm>> -> memref<128x64xf32, #tpu.memory_space<hbm>>
      tpu.wait_dma2 semaphore(%arg22 : memref<!tpu.dma_semaphore, #tpu.memory_space<semaphore_mem>>) src(%arg6 : memref<128x64xf32, #tpu.memory_space<vmem>>) dst(%dma_wait3A_304 : memref<128x64xf32, #tpu.memory_space<hbm>>)
      %add3A_305 = arith.constant 8 : i32
      %add3A_306 = arith.addi %add3A_280, %add3A_305 : i32
      %dma_start3A_307 = arith.constant 0 : i32
      %dma_start3A_308 = tpu.memref_slice %arg5[%add3A_306, %dma_start3A_307] : memref<200x128xi32, #tpu.memory_space<vmem>> -> memref<1x128xi32, #tpu.memory_space<vmem>>
      %dma_start3A_309 = tpu.memref_squeeze %dma_start3A_308 : memref<1x128xi32, #tpu.memory_space<vmem>> -> memref<128xi32, #tpu.memory_space<vmem>>
      %dma_start3A_310 = arith.constant 0 : i32
      %dma_start3A_311 = arith.constant 0 : i32
      %dma_start3A_312 = tpu.memref_slice %arg3[%dma_start3A_310, %dma_start3A_311] : memref<1000000x64xf32, #tpu.memory_space<hbm>> -> memref<1000000x64xf32, #tpu.memory_space<hbm>>
      tpu.enqueue_indirect_dma source(%dma_start3A_312 : memref<1000000x64xf32, #tpu.memory_space<hbm>>) target(%arg6 : memref<128x64xf32, #tpu.memory_space<vmem>>) offsets(%dma_start3A_309 : memref<128xi32, #tpu.memory_space<vmem>>) semaphore(%arg14 : memref<!tpu.dma_semaphore, #tpu.memory_space<semaphore_mem>>)
      %mul3A_313 = arith.constant 8 : i32
      %mul3A_314 = arith.muli %scan3A_276, %mul3A_313 : i32
      %add3A_315 = arith.constant 1 : i32
      %add3A_316 = arith.addi %mul3A_314, %add3A_315 : i32
      %dma_wait3A_317 = arith.constant 0 : i32
      %dma_wait3A_318 = tpu.memref_slice %arg5[%add3A_316, %dma_wait3A_317] : memref<200x128xi32, #tpu.memory_space<vmem>> -> memref<1x128xi32, #tpu.memory_space<vmem>>
      %dma_wait3A_319 = tpu.memref_squeeze %dma_wait3A_318 : memref<1x128xi32, #tpu.memory_space<vmem>> -> memref<128xi32, #tpu.memory_space<vmem>>
      %dma_wait3A_320 = arith.constant 0 : i32
      %dma_wait3A_321 = arith.constant 0 : i32
      %dma_wait3A_322 = tpu.memref_slice %arg3[%dma_wait3A_320, %dma_wait3A_321] : memref<1000000x64xf32, #tpu.memory_space<hbm>> -> memref<1000000x64xf32, #tpu.memory_space<hbm>>
      tpu.wait_indirect_dma semaphore(%arg15 : memref<!tpu.dma_semaphore, #tpu.memory_space<semaphore_mem>>) src(%dma_wait3A_322 : memref<1000000x64xf32, #tpu.memory_space<hbm>>) dst(%arg7 : memref<128x64xf32, #tpu.memory_space<vmem>>)
      %mul3A_323 = arith.constant 200 : i32
      %mul3A_324 = arith.muli %add3A, %mul3A_323 : i32
      %add3A_325 = arith.addi %mul3A_324, %add3A_316 : i32
      %mul3A_326 = arith.constant 128 : i32
      %mul3A_327 = arith.muli %add3A_325, %mul3A_326 : i32
      %dma_start3A_328 = arith.constant 0 : i32
      %dma_start3A_329 = tpu.memref_slice %arg4[%mul3A_327, %dma_start3A_328] : memref<819200x128xf32, #tpu.memory_space<hbm>> -> memref<128x64xf32, #tpu.memory_space<hbm>>
      %dma_start3A_330 = arith.constant 0 : i32
      %dma_start3A_331 = tpu.memref_slice %arg4[%mul3A_327, %dma_start3A_330] : memref<819200x128xf32, #tpu.memory_space<hbm>> -> memref<128x64xf32, #tpu.memory_space<hbm>>
      tpu.enqueue_dma source(%arg7 : memref<128x64xf32, #tpu.memory_space<vmem>>) target(%dma_start3A_331 : memref<128x64xf32, #tpu.memory_space<hbm>>) target_semaphore(%arg23 : memref<!tpu.dma_semaphore, #tpu.memory_space<semaphore_mem>>)
      %mul3A_332 = arith.constant 200 : i32
      %mul3A_333 = arith.muli %add3A, %mul3A_332 : i32
      %add3A_334 = arith.addi %mul3A_333, %add3A_316 : i32
      %mul3A_335 = arith.constant 128 : i32
      %mul3A_336 = arith.muli %add3A_334, %mul3A_335 : i32
      %dma_wait3A_337 = arith.constant 0 : i32
      %dma_wait3A_338 = tpu.memref_slice %arg4[%mul3A_336, %dma_wait3A_337] : memref<819200x128xf32, #tpu.memory_space<hbm>> -> memref<128x64xf32, #tpu.memory_space<hbm>>
      %dma_wait3A_339 = arith.constant 0 : i32
      %dma_wait3A_340 = tpu.memref_slice %arg4[%mul3A_336, %dma_wait3A_339] : memref<819200x128xf32, #tpu.memory_space<hbm>> -> memref<128x64xf32, #tpu.memory_space<hbm>>
      tpu.wait_dma2 semaphore(%arg23 : memref<!tpu.dma_semaphore, #tpu.memory_space<semaphore_mem>>) src(%arg7 : memref<128x64xf32, #tpu.memory_space<vmem>>) dst(%dma_wait3A_340 : memref<128x64xf32, #tpu.memory_space<hbm>>)
      %add3A_341 = arith.constant 8 : i32
      %add3A_342 = arith.addi %add3A_316, %add3A_341 : i32
      %dma_start3A_343 = arith.constant 0 : i32
      %dma_start3A_344 = tpu.memref_slice %arg5[%add3A_342, %dma_start3A_343] : memref<200x128xi32, #tpu.memory_space<vmem>> -> memref<1x128xi32, #tpu.memory_space<vmem>>
      %dma_start3A_345 = tpu.memref_squeeze %dma_start3A_344 : memref<1x128xi32, #tpu.memory_space<vmem>> -> memref<128xi32, #tpu.memory_space<vmem>>
      %dma_start3A_346 = arith.constant 0 : i32
      %dma_start3A_347 = arith.constant 0 : i32
      %dma_start3A_348 = tpu.memref_slice %arg3[%dma_start3A_346, %dma_start3A_347] : memref<1000000x64xf32, #tpu.memory_space<hbm>> -> memref<1000000x64xf32, #tpu.memory_space<hbm>>
      tpu.enqueue_indirect_dma source(%dma_start3A_348 : memref<1000000x64xf32, #tpu.memory_space<hbm>>) target(%arg7 : memref<128x64xf32, #tpu.memory_space<vmem>>) offsets(%dma_start3A_345 : memref<128xi32, #tpu.memory_space<vmem>>) semaphore(%arg15 : memref<!tpu.dma_semaphore, #tpu.memory_space<semaphore_mem>>)
      %mul3A_349 = arith.constant 8 : i32
      %mul3A_350 = arith.muli %scan3A_276, %mul3A_349 : i32
      %add3A_351 = arith.constant 2 : i32
      %add3A_352 = arith.addi %mul3A_350, %add3A_351 : i32
      %dma_wait3A_353 = arith.constant 0 : i32
      %dma_wait3A_354 = tpu.memref_slice %arg5[%add3A_352, %dma_wait3A_353] : memref<200x128xi32, #tpu.memory_space<vmem>> -> memref<1x128xi32, #tpu.memory_space<vmem>>
      %dma_wait3A_355 = tpu.memref_squeeze %dma_wait3A_354 : memref<1x128xi32, #tpu.memory_space<vmem>> -> memref<128xi32, #tpu.memory_space<vmem>>
      %dma_wait3A_356 = arith.constant 0 : i32
      %dma_wait3A_357 = arith.constant 0 : i32
      %dma_wait3A_358 = tpu.memref_slice %arg3[%dma_wait3A_356, %dma_wait3A_357] : memref<1000000x64xf32, #tpu.memory_space<hbm>> -> memref<1000000x64xf32, #tpu.memory_space<hbm>>
      tpu.wait_indirect_dma semaphore(%arg16 : memref<!tpu.dma_semaphore, #tpu.memory_space<semaphore_mem>>) src(%dma_wait3A_358 : memref<1000000x64xf32, #tpu.memory_space<hbm>>) dst(%arg8 : memref<128x64xf32, #tpu.memory_space<vmem>>)
      %mul3A_359 = arith.constant 200 : i32
      %mul3A_360 = arith.muli %add3A, %mul3A_359 : i32
      %add3A_361 = arith.addi %mul3A_360, %add3A_352 : i32
      %mul3A_362 = arith.constant 128 : i32
      %mul3A_363 = arith.muli %add3A_361, %mul3A_362 : i32
      %dma_start3A_364 = arith.constant 0 : i32
      %dma_start3A_365 = tpu.memref_slice %arg4[%mul3A_363, %dma_start3A_364] : memref<819200x128xf32, #tpu.memory_space<hbm>> -> memref<128x64xf32, #tpu.memory_space<hbm>>
      %dma_start3A_366 = arith.constant 0 : i32
      %dma_start3A_367 = tpu.memref_slice %arg4[%mul3A_363, %dma_start3A_366] : memref<819200x128xf32, #tpu.memory_space<hbm>> -> memref<128x64xf32, #tpu.memory_space<hbm>>
      tpu.enqueue_dma source(%arg8 : memref<128x64xf32, #tpu.memory_space<vmem>>) target(%dma_start3A_367 : memref<128x64xf32, #tpu.memory_space<hbm>>) target_semaphore(%arg24 : memref<!tpu.dma_semaphore, #tpu.memory_space<semaphore_mem>>)
      %mul3A_368 = arith.constant 200 : i32
      %mul3A_369 = arith.muli %add3A, %mul3A_368 : i32
      %add3A_370 = arith.addi %mul3A_369, %add3A_352 : i32
      %mul3A_371 = arith.constant 128 : i32
      %mul3A_372 = arith.muli %add3A_370, %mul3A_371 : i32
      %dma_wait3A_373 = arith.constant 0 : i32
      %dma_wait3A_374 = tpu.memref_slice %arg4[%mul3A_372, %dma_wait3A_373] : memref<819200x128xf32, #tpu.memory_space<hbm>> -> memref<128x64xf32, #tpu.memory_space<hbm>>
      %dma_wait3A_375 = arith.constant 0 : i32
      %dma_wait3A_376 = tpu.memref_slice %arg4[%mul3A_372, %dma_wait3A_375] : memref<819200x128xf32, #tpu.memory_space<hbm>> -> memref<128x64xf32, #tpu.memory_space<hbm>>
      tpu.wait_dma2 semaphore(%arg24 : memref<!tpu.dma_semaphore, #tpu.memory_space<semaphore_mem>>) src(%arg8 : memref<128x64xf32, #tpu.memory_space<vmem>>) dst(%dma_wait3A_376 : memref<128x64xf32, #tpu.memory_space<hbm>>)
      %add3A_377 = arith.constant 8 : i32
      %add3A_378 = arith.addi %add3A_352, %add3A_377 : i32
      %dma_start3A_379 = arith.constant 0 : i32
      %dma_start3A_380 = tpu.memref_slice %arg5[%add3A_378, %dma_start3A_379] : memref<200x128xi32, #tpu.memory_space<vmem>> -> memref<1x128xi32, #tpu.memory_space<vmem>>
      %dma_start3A_381 = tpu.memref_squeeze %dma_start3A_380 : memref<1x128xi32, #tpu.memory_space<vmem>> -> memref<128xi32, #tpu.memory_space<vmem>>
      %dma_start3A_382 = arith.constant 0 : i32
      %dma_start3A_383 = arith.constant 0 : i32
      %dma_start3A_384 = tpu.memref_slice %arg3[%dma_start3A_382, %dma_start3A_383] : memref<1000000x64xf32, #tpu.memory_space<hbm>> -> memref<1000000x64xf32, #tpu.memory_space<hbm>>
      tpu.enqueue_indirect_dma source(%dma_start3A_384 : memref<1000000x64xf32, #tpu.memory_space<hbm>>) target(%arg8 : memref<128x64xf32, #tpu.memory_space<vmem>>) offsets(%dma_start3A_381 : memref<128xi32, #tpu.memory_space<vmem>>) semaphore(%arg16 : memref<!tpu.dma_semaphore, #tpu.memory_space<semaphore_mem>>)
      %mul3A_385 = arith.constant 8 : i32
      %mul3A_386 = arith.muli %scan3A_276, %mul3A_385 : i32
      %add3A_387 = arith.constant 3 : i32
      %add3A_388 = arith.addi %mul3A_386, %add3A_387 : i32
      %dma_wait3A_389 = arith.constant 0 : i32
      %dma_wait3A_390 = tpu.memref_slice %arg5[%add3A_388, %dma_wait3A_389] : memref<200x128xi32, #tpu.memory_space<vmem>> -> memref<1x128xi32, #tpu.memory_space<vmem>>
      %dma_wait3A_391 = tpu.memref_squeeze %dma_wait3A_390 : memref<1x128xi32, #tpu.memory_space<vmem>> -> memref<128xi32, #tpu.memory_space<vmem>>
      %dma_wait3A_392 = arith.constant 0 : i32
      %dma_wait3A_393 = arith.constant 0 : i32
      %dma_wait3A_394 = tpu.memref_slice %arg3[%dma_wait3A_392, %dma_wait3A_393] : memref<1000000x64xf32, #tpu.memory_space<hbm>> -> memref<1000000x64xf32, #tpu.memory_space<hbm>>
      tpu.wait_indirect_dma semaphore(%arg17 : memref<!tpu.dma_semaphore, #tpu.memory_space<semaphore_mem>>) src(%dma_wait3A_394 : memref<1000000x64xf32, #tpu.memory_space<hbm>>) dst(%arg9 : memref<128x64xf32, #tpu.memory_space<vmem>>)
      %mul3A_395 = arith.constant 200 : i32
      %mul3A_396 = arith.muli %add3A, %mul3A_395 : i32
      %add3A_397 = arith.addi %mul3A_396, %add3A_388 : i32
      %mul3A_398 = arith.constant 128 : i32
      %mul3A_399 = arith.muli %add3A_397, %mul3A_398 : i32
      %dma_start3A_400 = arith.constant 0 : i32
      %dma_start3A_401 = tpu.memref_slice %arg4[%mul3A_399, %dma_start3A_400] : memref<819200x128xf32, #tpu.memory_space<hbm>> -> memref<128x64xf32, #tpu.memory_space<hbm>>
      %dma_start3A_402 = arith.constant 0 : i32
      %dma_start3A_403 = tpu.memref_slice %arg4[%mul3A_399, %dma_start3A_402] : memref<819200x128xf32, #tpu.memory_space<hbm>> -> memref<128x64xf32, #tpu.memory_space<hbm>>
      tpu.enqueue_dma source(%arg9 : memref<128x64xf32, #tpu.memory_space<vmem>>) target(%dma_start3A_403 : memref<128x64xf32, #tpu.memory_space<hbm>>) target_semaphore(%arg25 : memref<!tpu.dma_semaphore, #tpu.memory_space<semaphore_mem>>)
      %mul3A_404 = arith.constant 200 : i32
      %mul3A_405 = arith.muli %add3A, %mul3A_404 : i32
      %add3A_406 = arith.addi %mul3A_405, %add3A_388 : i32
      %mul3A_407 = arith.constant 128 : i32
      %mul3A_408 = arith.muli %add3A_406, %mul3A_407 : i32
      %dma_wait3A_409 = arith.constant 0 : i32
      %dma_wait3A_410 = tpu.memref_slice %arg4[%mul3A_408, %dma_wait3A_409] : memref<819200x128xf32, #tpu.memory_space<hbm>> -> memref<128x64xf32, #tpu.memory_space<hbm>>
      %dma_wait3A_411 = arith.constant 0 : i32
      %dma_wait3A_412 = tpu.memref_slice %arg4[%mul3A_408, %dma_wait3A_411] : memref<819200x128xf32, #tpu.memory_space<hbm>> -> memref<128x64xf32, #tpu.memory_space<hbm>>
      tpu.wait_dma2 semaphore(%arg25 : memref<!tpu.dma_semaphore, #tpu.memory_space<semaphore_mem>>) src(%arg9 : memref<128x64xf32, #tpu.memory_space<vmem>>) dst(%dma_wait3A_412 : memref<128x64xf32, #tpu.memory_space<hbm>>)
      %add3A_413 = arith.constant 8 : i32
      %add3A_414 = arith.addi %add3A_388, %add3A_413 : i32
      %dma_start3A_415 = arith.constant 0 : i32
      %dma_start3A_416 = tpu.memref_slice %arg5[%add3A_414, %dma_start3A_415] : memref<200x128xi32, #tpu.memory_space<vmem>> -> memref<1x128xi32, #tpu.memory_space<vmem>>
      %dma_start3A_417 = tpu.memref_squeeze %dma_start3A_416 : memref<1x128xi32, #tpu.memory_space<vmem>> -> memref<128xi32, #tpu.memory_space<vmem>>
      %dma_start3A_418 = arith.constant 0 : i32
      %dma_start3A_419 = arith.constant 0 : i32
      %dma_start3A_420 = tpu.memref_slice %arg3[%dma_start3A_418, %dma_start3A_419] : memref<1000000x64xf32, #tpu.memory_space<hbm>> -> memref<1000000x64xf32, #tpu.memory_space<hbm>>
      tpu.enqueue_indirect_dma source(%dma_start3A_420 : memref<1000000x64xf32, #tpu.memory_space<hbm>>) target(%arg9 : memref<128x64xf32, #tpu.memory_space<vmem>>) offsets(%dma_start3A_417 : memref<128xi32, #tpu.memory_space<vmem>>) semaphore(%arg17 : memref<!tpu.dma_semaphore, #tpu.memory_space<semaphore_mem>>)
      %mul3A_421 = arith.constant 8 : i32
      %mul3A_422 = arith.muli %scan3A_276, %mul3A_421 : i32
      %add3A_423 = arith.constant 4 : i32
      %add3A_424 = arith.addi %mul3A_422, %add3A_423 : i32
      %dma_wait3A_425 = arith.constant 0 : i32
      %dma_wait3A_426 = tpu.memref_slice %arg5[%add3A_424, %dma_wait3A_425] : memref<200x128xi32, #tpu.memory_space<vmem>> -> memref<1x128xi32, #tpu.memory_space<vmem>>
      %dma_wait3A_427 = tpu.memref_squeeze %dma_wait3A_426 : memref<1x128xi32, #tpu.memory_space<vmem>> -> memref<128xi32, #tpu.memory_space<vmem>>
      %dma_wait3A_428 = arith.constant 0 : i32
      %dma_wait3A_429 = arith.constant 0 : i32
      %dma_wait3A_430 = tpu.memref_slice %arg3[%dma_wait3A_428, %dma_wait3A_429] : memref<1000000x64xf32, #tpu.memory_space<hbm>> -> memref<1000000x64xf32, #tpu.memory_space<hbm>>
      tpu.wait_indirect_dma semaphore(%arg18 : memref<!tpu.dma_semaphore, #tpu.memory_space<semaphore_mem>>) src(%dma_wait3A_430 : memref<1000000x64xf32, #tpu.memory_space<hbm>>) dst(%arg10 : memref<128x64xf32, #tpu.memory_space<vmem>>)
      %mul3A_431 = arith.constant 200 : i32
      %mul3A_432 = arith.muli %add3A, %mul3A_431 : i32
      %add3A_433 = arith.addi %mul3A_432, %add3A_424 : i32
      %mul3A_434 = arith.constant 128 : i32
      %mul3A_435 = arith.muli %add3A_433, %mul3A_434 : i32
      %dma_start3A_436 = arith.constant 0 : i32
      %dma_start3A_437 = tpu.memref_slice %arg4[%mul3A_435, %dma_start3A_436] : memref<819200x128xf32, #tpu.memory_space<hbm>> -> memref<128x64xf32, #tpu.memory_space<hbm>>
      %dma_start3A_438 = arith.constant 0 : i32
      %dma_start3A_439 = tpu.memref_slice %arg4[%mul3A_435, %dma_start3A_438] : memref<819200x128xf32, #tpu.memory_space<hbm>> -> memref<128x64xf32, #tpu.memory_space<hbm>>
      tpu.enqueue_dma source(%arg10 : memref<128x64xf32, #tpu.memory_space<vmem>>) target(%dma_start3A_439 : memref<128x64xf32, #tpu.memory_space<hbm>>) target_semaphore(%arg26 : memref<!tpu.dma_semaphore, #tpu.memory_space<semaphore_mem>>)
      %mul3A_440 = arith.constant 200 : i32
      %mul3A_441 = arith.muli %add3A, %mul3A_440 : i32
      %add3A_442 = arith.addi %mul3A_441, %add3A_424 : i32
      %mul3A_443 = arith.constant 128 : i32
      %mul3A_444 = arith.muli %add3A_442, %mul3A_443 : i32
      %dma_wait3A_445 = arith.constant 0 : i32
      %dma_wait3A_446 = tpu.memref_slice %arg4[%mul3A_444, %dma_wait3A_445] : memref<819200x128xf32, #tpu.memory_space<hbm>> -> memref<128x64xf32, #tpu.memory_space<hbm>>
      %dma_wait3A_447 = arith.constant 0 : i32
      %dma_wait3A_448 = tpu.memref_slice %arg4[%mul3A_444, %dma_wait3A_447] : memref<819200x128xf32, #tpu.memory_space<hbm>> -> memref<128x64xf32, #tpu.memory_space<hbm>>
      tpu.wait_dma2 semaphore(%arg26 : memref<!tpu.dma_semaphore, #tpu.memory_space<semaphore_mem>>) src(%arg10 : memref<128x64xf32, #tpu.memory_space<vmem>>) dst(%dma_wait3A_448 : memref<128x64xf32, #tpu.memory_space<hbm>>)
      %add3A_449 = arith.constant 8 : i32
      %add3A_450 = arith.addi %add3A_424, %add3A_449 : i32
      %dma_start3A_451 = arith.constant 0 : i32
      %dma_start3A_452 = tpu.memref_slice %arg5[%add3A_450, %dma_start3A_451] : memref<200x128xi32, #tpu.memory_space<vmem>> -> memref<1x128xi32, #tpu.memory_space<vmem>>
      %dma_start3A_453 = tpu.memref_squeeze %dma_start3A_452 : memref<1x128xi32, #tpu.memory_space<vmem>> -> memref<128xi32, #tpu.memory_space<vmem>>
      %dma_start3A_454 = arith.constant 0 : i32
      %dma_start3A_455 = arith.constant 0 : i32
      %dma_start3A_456 = tpu.memref_slice %arg3[%dma_start3A_454, %dma_start3A_455] : memref<1000000x64xf32, #tpu.memory_space<hbm>> -> memref<1000000x64xf32, #tpu.memory_space<hbm>>
      tpu.enqueue_indirect_dma source(%dma_start3A_456 : memref<1000000x64xf32, #tpu.memory_space<hbm>>) target(%arg10 : memref<128x64xf32, #tpu.memory_space<vmem>>) offsets(%dma_start3A_453 : memref<128xi32, #tpu.memory_space<vmem>>) semaphore(%arg18 : memref<!tpu.dma_semaphore, #tpu.memory_space<semaphore_mem>>)
      %mul3A_457 = arith.constant 8 : i32
      %mul3A_458 = arith.muli %scan3A_276, %mul3A_457 : i32
      %add3A_459 = arith.constant 5 : i32
      %add3A_460 = arith.addi %mul3A_458, %add3A_459 : i32
      %dma_wait3A_461 = arith.constant 0 : i32
      %dma_wait3A_462 = tpu.memref_slice %arg5[%add3A_460, %dma_wait3A_461] : memref<200x128xi32, #tpu.memory_space<vmem>> -> memref<1x128xi32, #tpu.memory_space<vmem>>
      %dma_wait3A_463 = tpu.memref_squeeze %dma_wait3A_462 : memref<1x128xi32, #tpu.memory_space<vmem>> -> memref<128xi32, #tpu.memory_space<vmem>>
      %dma_wait3A_464 = arith.constant 0 : i32
      %dma_wait3A_465 = arith.constant 0 : i32
      %dma_wait3A_466 = tpu.memref_slice %arg3[%dma_wait3A_464, %dma_wait3A_465] : memref<1000000x64xf32, #tpu.memory_space<hbm>> -> memref<1000000x64xf32, #tpu.memory_space<hbm>>
      tpu.wait_indirect_dma semaphore(%arg19 : memref<!tpu.dma_semaphore, #tpu.memory_space<semaphore_mem>>) src(%dma_wait3A_466 : memref<1000000x64xf32, #tpu.memory_space<hbm>>) dst(%arg11 : memref<128x64xf32, #tpu.memory_space<vmem>>)
      %mul3A_467 = arith.constant 200 : i32
      %mul3A_468 = arith.muli %add3A, %mul3A_467 : i32
      %add3A_469 = arith.addi %mul3A_468, %add3A_460 : i32
      %mul3A_470 = arith.constant 128 : i32
      %mul3A_471 = arith.muli %add3A_469, %mul3A_470 : i32
      %dma_start3A_472 = arith.constant 0 : i32
      %dma_start3A_473 = tpu.memref_slice %arg4[%mul3A_471, %dma_start3A_472] : memref<819200x128xf32, #tpu.memory_space<hbm>> -> memref<128x64xf32, #tpu.memory_space<hbm>>
      %dma_start3A_474 = arith.constant 0 : i32
      %dma_start3A_475 = tpu.memref_slice %arg4[%mul3A_471, %dma_start3A_474] : memref<819200x128xf32, #tpu.memory_space<hbm>> -> memref<128x64xf32, #tpu.memory_space<hbm>>
      tpu.enqueue_dma source(%arg11 : memref<128x64xf32, #tpu.memory_space<vmem>>) target(%dma_start3A_475 : memref<128x64xf32, #tpu.memory_space<hbm>>) target_semaphore(%arg27 : memref<!tpu.dma_semaphore, #tpu.memory_space<semaphore_mem>>)
      %mul3A_476 = arith.constant 200 : i32
      %mul3A_477 = arith.muli %add3A, %mul3A_476 : i32
      %add3A_478 = arith.addi %mul3A_477, %add3A_460 : i32
      %mul3A_479 = arith.constant 128 : i32
      %mul3A_480 = arith.muli %add3A_478, %mul3A_479 : i32
      %dma_wait3A_481 = arith.constant 0 : i32
      %dma_wait3A_482 = tpu.memref_slice %arg4[%mul3A_480, %dma_wait3A_481] : memref<819200x128xf32, #tpu.memory_space<hbm>> -> memref<128x64xf32, #tpu.memory_space<hbm>>
      %dma_wait3A_483 = arith.constant 0 : i32
      %dma_wait3A_484 = tpu.memref_slice %arg4[%mul3A_480, %dma_wait3A_483] : memref<819200x128xf32, #tpu.memory_space<hbm>> -> memref<128x64xf32, #tpu.memory_space<hbm>>
      tpu.wait_dma2 semaphore(%arg27 : memref<!tpu.dma_semaphore, #tpu.memory_space<semaphore_mem>>) src(%arg11 : memref<128x64xf32, #tpu.memory_space<vmem>>) dst(%dma_wait3A_484 : memref<128x64xf32, #tpu.memory_space<hbm>>)
      %add3A_485 = arith.constant 8 : i32
      %add3A_486 = arith.addi %add3A_460, %add3A_485 : i32
      %dma_start3A_487 = arith.constant 0 : i32
      %dma_start3A_488 = tpu.memref_slice %arg5[%add3A_486, %dma_start3A_487] : memref<200x128xi32, #tpu.memory_space<vmem>> -> memref<1x128xi32, #tpu.memory_space<vmem>>
      %dma_start3A_489 = tpu.memref_squeeze %dma_start3A_488 : memref<1x128xi32, #tpu.memory_space<vmem>> -> memref<128xi32, #tpu.memory_space<vmem>>
      %dma_start3A_490 = arith.constant 0 : i32
      %dma_start3A_491 = arith.constant 0 : i32
      %dma_start3A_492 = tpu.memref_slice %arg3[%dma_start3A_490, %dma_start3A_491] : memref<1000000x64xf32, #tpu.memory_space<hbm>> -> memref<1000000x64xf32, #tpu.memory_space<hbm>>
      tpu.enqueue_indirect_dma source(%dma_start3A_492 : memref<1000000x64xf32, #tpu.memory_space<hbm>>) target(%arg11 : memref<128x64xf32, #tpu.memory_space<vmem>>) offsets(%dma_start3A_489 : memref<128xi32, #tpu.memory_space<vmem>>) semaphore(%arg19 : memref<!tpu.dma_semaphore, #tpu.memory_space<semaphore_mem>>)
      %mul3A_493 = arith.constant 8 : i32
      %mul3A_494 = arith.muli %scan3A_276, %mul3A_493 : i32
      %add3A_495 = arith.constant 6 : i32
      %add3A_496 = arith.addi %mul3A_494, %add3A_495 : i32
      %dma_wait3A_497 = arith.constant 0 : i32
      %dma_wait3A_498 = tpu.memref_slice %arg5[%add3A_496, %dma_wait3A_497] : memref<200x128xi32, #tpu.memory_space<vmem>> -> memref<1x128xi32, #tpu.memory_space<vmem>>
      %dma_wait3A_499 = tpu.memref_squeeze %dma_wait3A_498 : memref<1x128xi32, #tpu.memory_space<vmem>> -> memref<128xi32, #tpu.memory_space<vmem>>
      %dma_wait3A_500 = arith.constant 0 : i32
      %dma_wait3A_501 = arith.constant 0 : i32
      %dma_wait3A_502 = tpu.memref_slice %arg3[%dma_wait3A_500, %dma_wait3A_501] : memref<1000000x64xf32, #tpu.memory_space<hbm>> -> memref<1000000x64xf32, #tpu.memory_space<hbm>>
      tpu.wait_indirect_dma semaphore(%arg20 : memref<!tpu.dma_semaphore, #tpu.memory_space<semaphore_mem>>) src(%dma_wait3A_502 : memref<1000000x64xf32, #tpu.memory_space<hbm>>) dst(%arg12 : memref<128x64xf32, #tpu.memory_space<vmem>>)
      %mul3A_503 = arith.constant 200 : i32
      %mul3A_504 = arith.muli %add3A, %mul3A_503 : i32
      %add3A_505 = arith.addi %mul3A_504, %add3A_496 : i32
      %mul3A_506 = arith.constant 128 : i32
      %mul3A_507 = arith.muli %add3A_505, %mul3A_506 : i32
      %dma_start3A_508 = arith.constant 0 : i32
      %dma_start3A_509 = tpu.memref_slice %arg4[%mul3A_507, %dma_start3A_508] : memref<819200x128xf32, #tpu.memory_space<hbm>> -> memref<128x64xf32, #tpu.memory_space<hbm>>
      %dma_start3A_510 = arith.constant 0 : i32
      %dma_start3A_511 = tpu.memref_slice %arg4[%mul3A_507, %dma_start3A_510] : memref<819200x128xf32, #tpu.memory_space<hbm>> -> memref<128x64xf32, #tpu.memory_space<hbm>>
      tpu.enqueue_dma source(%arg12 : memref<128x64xf32, #tpu.memory_space<vmem>>) target(%dma_start3A_511 : memref<128x64xf32, #tpu.memory_space<hbm>>) target_semaphore(%arg28 : memref<!tpu.dma_semaphore, #tpu.memory_space<semaphore_mem>>)
      %mul3A_512 = arith.constant 200 : i32
      %mul3A_513 = arith.muli %add3A, %mul3A_512 : i32
      %add3A_514 = arith.addi %mul3A_513, %add3A_496 : i32
      %mul3A_515 = arith.constant 128 : i32
      %mul3A_516 = arith.muli %add3A_514, %mul3A_515 : i32
      %dma_wait3A_517 = arith.constant 0 : i32
      %dma_wait3A_518 = tpu.memref_slice %arg4[%mul3A_516, %dma_wait3A_517] : memref<819200x128xf32, #tpu.memory_space<hbm>> -> memref<128x64xf32, #tpu.memory_space<hbm>>
      %dma_wait3A_519 = arith.constant 0 : i32
      %dma_wait3A_520 = tpu.memref_slice %arg4[%mul3A_516, %dma_wait3A_519] : memref<819200x128xf32, #tpu.memory_space<hbm>> -> memref<128x64xf32, #tpu.memory_space<hbm>>
      tpu.wait_dma2 semaphore(%arg28 : memref<!tpu.dma_semaphore, #tpu.memory_space<semaphore_mem>>) src(%arg12 : memref<128x64xf32, #tpu.memory_space<vmem>>) dst(%dma_wait3A_520 : memref<128x64xf32, #tpu.memory_space<hbm>>)
      %add3A_521 = arith.constant 8 : i32
      %add3A_522 = arith.addi %add3A_496, %add3A_521 : i32
      %dma_start3A_523 = arith.constant 0 : i32
      %dma_start3A_524 = tpu.memref_slice %arg5[%add3A_522, %dma_start3A_523] : memref<200x128xi32, #tpu.memory_space<vmem>> -> memref<1x128xi32, #tpu.memory_space<vmem>>
      %dma_start3A_525 = tpu.memref_squeeze %dma_start3A_524 : memref<1x128xi32, #tpu.memory_space<vmem>> -> memref<128xi32, #tpu.memory_space<vmem>>
      %dma_start3A_526 = arith.constant 0 : i32
      %dma_start3A_527 = arith.constant 0 : i32
      %dma_start3A_528 = tpu.memref_slice %arg3[%dma_start3A_526, %dma_start3A_527] : memref<1000000x64xf32, #tpu.memory_space<hbm>> -> memref<1000000x64xf32, #tpu.memory_space<hbm>>
      tpu.enqueue_indirect_dma source(%dma_start3A_528 : memref<1000000x64xf32, #tpu.memory_space<hbm>>) target(%arg12 : memref<128x64xf32, #tpu.memory_space<vmem>>) offsets(%dma_start3A_525 : memref<128xi32, #tpu.memory_space<vmem>>) semaphore(%arg20 : memref<!tpu.dma_semaphore, #tpu.memory_space<semaphore_mem>>)
      %mul3A_529 = arith.constant 8 : i32
      %mul3A_530 = arith.muli %scan3A_276, %mul3A_529 : i32
      %add3A_531 = arith.constant 7 : i32
      %add3A_532 = arith.addi %mul3A_530, %add3A_531 : i32
      %dma_wait3A_533 = arith.constant 0 : i32
      %dma_wait3A_534 = tpu.memref_slice %arg5[%add3A_532, %dma_wait3A_533] : memref<200x128xi32, #tpu.memory_space<vmem>> -> memref<1x128xi32, #tpu.memory_space<vmem>>
      %dma_wait3A_535 = tpu.memref_squeeze %dma_wait3A_534 : memref<1x128xi32, #tpu.memory_space<vmem>> -> memref<128xi32, #tpu.memory_space<vmem>>
      %dma_wait3A_536 = arith.constant 0 : i32
      %dma_wait3A_537 = arith.constant 0 : i32
      %dma_wait3A_538 = tpu.memref_slice %arg3[%dma_wait3A_536, %dma_wait3A_537] : memref<1000000x64xf32, #tpu.memory_space<hbm>> -> memref<1000000x64xf32, #tpu.memory_space<hbm>>
      tpu.wait_indirect_dma semaphore(%arg21 : memref<!tpu.dma_semaphore, #tpu.memory_space<semaphore_mem>>) src(%dma_wait3A_538 : memref<1000000x64xf32, #tpu.memory_space<hbm>>) dst(%arg13 : memref<128x64xf32, #tpu.memory_space<vmem>>)
      %mul3A_539 = arith.constant 200 : i32
      %mul3A_540 = arith.muli %add3A, %mul3A_539 : i32
      %add3A_541 = arith.addi %mul3A_540, %add3A_532 : i32
      %mul3A_542 = arith.constant 128 : i32
      %mul3A_543 = arith.muli %add3A_541, %mul3A_542 : i32
      %dma_start3A_544 = arith.constant 0 : i32
      %dma_start3A_545 = tpu.memref_slice %arg4[%mul3A_543, %dma_start3A_544] : memref<819200x128xf32, #tpu.memory_space<hbm>> -> memref<128x64xf32, #tpu.memory_space<hbm>>
      %dma_start3A_546 = arith.constant 0 : i32
      %dma_start3A_547 = tpu.memref_slice %arg4[%mul3A_543, %dma_start3A_546] : memref<819200x128xf32, #tpu.memory_space<hbm>> -> memref<128x64xf32, #tpu.memory_space<hbm>>
      tpu.enqueue_dma source(%arg13 : memref<128x64xf32, #tpu.memory_space<vmem>>) target(%dma_start3A_547 : memref<128x64xf32, #tpu.memory_space<hbm>>) target_semaphore(%arg29 : memref<!tpu.dma_semaphore, #tpu.memory_space<semaphore_mem>>)
      %mul3A_548 = arith.constant 200 : i32
      %mul3A_549 = arith.muli %add3A, %mul3A_548 : i32
      %add3A_550 = arith.addi %mul3A_549, %add3A_532 : i32
      %mul3A_551 = arith.constant 128 : i32
      %mul3A_552 = arith.muli %add3A_550, %mul3A_551 : i32
      %dma_wait3A_553 = arith.constant 0 : i32
      %dma_wait3A_554 = tpu.memref_slice %arg4[%mul3A_552, %dma_wait3A_553] : memref<819200x128xf32, #tpu.memory_space<hbm>> -> memref<128x64xf32, #tpu.memory_space<hbm>>
      %dma_wait3A_555 = arith.constant 0 : i32
      %dma_wait3A_556 = tpu.memref_slice %arg4[%mul3A_552, %dma_wait3A_555] : memref<819200x128xf32, #tpu.memory_space<hbm>> -> memref<128x64xf32, #tpu.memory_space<hbm>>
      tpu.wait_dma2 semaphore(%arg29 : memref<!tpu.dma_semaphore, #tpu.memory_space<semaphore_mem>>) src(%arg13 : memref<128x64xf32, #tpu.memory_space<vmem>>) dst(%dma_wait3A_556 : memref<128x64xf32, #tpu.memory_space<hbm>>)
      %add3A_557 = arith.constant 8 : i32
      %add3A_558 = arith.addi %add3A_532, %add3A_557 : i32
      %dma_start3A_559 = arith.constant 0 : i32
      %dma_start3A_560 = tpu.memref_slice %arg5[%add3A_558, %dma_start3A_559] : memref<200x128xi32, #tpu.memory_space<vmem>> -> memref<1x128xi32, #tpu.memory_space<vmem>>
      %dma_start3A_561 = tpu.memref_squeeze %dma_start3A_560 : memref<1x128xi32, #tpu.memory_space<vmem>> -> memref<128xi32, #tpu.memory_space<vmem>>
      %dma_start3A_562 = arith.constant 0 : i32
      %dma_start3A_563 = arith.constant 0 : i32
      %dma_start3A_564 = tpu.memref_slice %arg3[%dma_start3A_562, %dma_start3A_563] : memref<1000000x64xf32, #tpu.memory_space<hbm>> -> memref<1000000x64xf32, #tpu.memory_space<hbm>>
      tpu.enqueue_indirect_dma source(%dma_start3A_564 : memref<1000000x64xf32, #tpu.memory_space<hbm>>) target(%arg13 : memref<128x64xf32, #tpu.memory_space<vmem>>) offsets(%dma_start3A_561 : memref<128xi32, #tpu.memory_space<vmem>>) semaphore(%arg21 : memref<!tpu.dma_semaphore, #tpu.memory_space<semaphore_mem>>)
    }
    %scan3A_60 = arith.constant 24 : i32
    %dma_wait3A = arith.constant 192 : i32
    %dma_wait3A_61 = arith.constant 0 : i32
    %dma_wait3A_62 = tpu.memref_slice %arg5[%dma_wait3A, %dma_wait3A_61] : memref<200x128xi32, #tpu.memory_space<vmem>> -> memref<1x128xi32, #tpu.memory_space<vmem>>
    %dma_wait3A_63 = tpu.memref_squeeze %dma_wait3A_62 : memref<1x128xi32, #tpu.memory_space<vmem>> -> memref<128xi32, #tpu.memory_space<vmem>>
    %dma_wait3A_64 = arith.constant 0 : i32
    %dma_wait3A_65 = arith.constant 0 : i32
    %dma_wait3A_66 = tpu.memref_slice %arg3[%dma_wait3A_64, %dma_wait3A_65] : memref<1000000x64xf32, #tpu.memory_space<hbm>> -> memref<1000000x64xf32, #tpu.memory_space<hbm>>
    tpu.wait_indirect_dma semaphore(%arg14 : memref<!tpu.dma_semaphore, #tpu.memory_space<semaphore_mem>>) src(%dma_wait3A_66 : memref<1000000x64xf32, #tpu.memory_space<hbm>>) dst(%arg6 : memref<128x64xf32, #tpu.memory_space<vmem>>)
    %mul3A_67 = arith.constant 200 : i32
    %mul3A_68 = arith.muli %add3A, %mul3A_67 : i32
    %add3A_69 = arith.constant 192 : i32
    %add3A_70 = arith.addi %mul3A_68, %add3A_69 : i32
    %mul3A_71 = arith.constant 128 : i32
    %mul3A_72 = arith.muli %add3A_70, %mul3A_71 : i32
    %dma_start3A_73 = arith.constant 0 : i32
    %dma_start3A_74 = tpu.memref_slice %arg4[%mul3A_72, %dma_start3A_73] : memref<819200x128xf32, #tpu.memory_space<hbm>> -> memref<128x64xf32, #tpu.memory_space<hbm>>
    %dma_start3A_75 = arith.constant 0 : i32
    %dma_start3A_76 = tpu.memref_slice %arg4[%mul3A_72, %dma_start3A_75] : memref<819200x128xf32, #tpu.memory_space<hbm>> -> memref<128x64xf32, #tpu.memory_space<hbm>>
    tpu.enqueue_dma source(%arg6 : memref<128x64xf32, #tpu.memory_space<vmem>>) target(%dma_start3A_76 : memref<128x64xf32, #tpu.memory_space<hbm>>) target_semaphore(%arg22 : memref<!tpu.dma_semaphore, #tpu.memory_space<semaphore_mem>>)
    %mul3A_77 = arith.constant 200 : i32
    %mul3A_78 = arith.muli %add3A, %mul3A_77 : i32
    %add3A_79 = arith.constant 192 : i32
    %add3A_80 = arith.addi %mul3A_78, %add3A_79 : i32
    %mul3A_81 = arith.constant 128 : i32
    %mul3A_82 = arith.muli %add3A_80, %mul3A_81 : i32
    %dma_wait3A_83 = arith.constant 0 : i32
    %dma_wait3A_84 = tpu.memref_slice %arg4[%mul3A_82, %dma_wait3A_83] : memref<819200x128xf32, #tpu.memory_space<hbm>> -> memref<128x64xf32, #tpu.memory_space<hbm>>
    %dma_wait3A_85 = arith.constant 0 : i32
    %dma_wait3A_86 = tpu.memref_slice %arg4[%mul3A_82, %dma_wait3A_85] : memref<819200x128xf32, #tpu.memory_space<hbm>> -> memref<128x64xf32, #tpu.memory_space<hbm>>
    tpu.wait_dma2 semaphore(%arg22 : memref<!tpu.dma_semaphore, #tpu.memory_space<semaphore_mem>>) src(%arg6 : memref<128x64xf32, #tpu.memory_space<vmem>>) dst(%dma_wait3A_86 : memref<128x64xf32, #tpu.memory_space<hbm>>)
    %dma_wait3A_87 = arith.constant 193 : i32
    %dma_wait3A_88 = arith.constant 0 : i32
    %dma_wait3A_89 = tpu.memref_slice %arg5[%dma_wait3A_87, %dma_wait3A_88] : memref<200x128xi32, #tpu.memory_space<vmem>> -> memref<1x128xi32, #tpu.memory_space<vmem>>
    %dma_wait3A_90 = tpu.memref_squeeze %dma_wait3A_89 : memref<1x128xi32, #tpu.memory_space<vmem>> -> memref<128xi32, #tpu.memory_space<vmem>>
    %dma_wait3A_91 = arith.constant 0 : i32
    %dma_wait3A_92 = arith.constant 0 : i32
    %dma_wait3A_93 = tpu.memref_slice %arg3[%dma_wait3A_91, %dma_wait3A_92] : memref<1000000x64xf32, #tpu.memory_space<hbm>> -> memref<1000000x64xf32, #tpu.memory_space<hbm>>
    tpu.wait_indirect_dma semaphore(%arg15 : memref<!tpu.dma_semaphore, #tpu.memory_space<semaphore_mem>>) src(%dma_wait3A_93 : memref<1000000x64xf32, #tpu.memory_space<hbm>>) dst(%arg7 : memref<128x64xf32, #tpu.memory_space<vmem>>)
    %mul3A_94 = arith.constant 200 : i32
    %mul3A_95 = arith.muli %add3A, %mul3A_94 : i32
    %add3A_96 = arith.constant 193 : i32
    %add3A_97 = arith.addi %mul3A_95, %add3A_96 : i32
    %mul3A_98 = arith.constant 128 : i32
    %mul3A_99 = arith.muli %add3A_97, %mul3A_98 : i32
    %dma_start3A_100 = arith.constant 0 : i32
    %dma_start3A_101 = tpu.memref_slice %arg4[%mul3A_99, %dma_start3A_100] : memref<819200x128xf32, #tpu.memory_space<hbm>> -> memref<128x64xf32, #tpu.memory_space<hbm>>
    %dma_start3A_102 = arith.constant 0 : i32
    %dma_start3A_103 = tpu.memref_slice %arg4[%mul3A_99, %dma_start3A_102] : memref<819200x128xf32, #tpu.memory_space<hbm>> -> memref<128x64xf32, #tpu.memory_space<hbm>>
    tpu.enqueue_dma source(%arg7 : memref<128x64xf32, #tpu.memory_space<vmem>>) target(%dma_start3A_103 : memref<128x64xf32, #tpu.memory_space<hbm>>) target_semaphore(%arg23 : memref<!tpu.dma_semaphore, #tpu.memory_space<semaphore_mem>>)
    %mul3A_104 = arith.constant 200 : i32
    %mul3A_105 = arith.muli %add3A, %mul3A_104 : i32
    %add3A_106 = arith.constant 193 : i32
    %add3A_107 = arith.addi %mul3A_105, %add3A_106 : i32
    %mul3A_108 = arith.constant 128 : i32
    %mul3A_109 = arith.muli %add3A_107, %mul3A_108 : i32
    %dma_wait3A_110 = arith.constant 0 : i32
    %dma_wait3A_111 = tpu.memref_slice %arg4[%mul3A_109, %dma_wait3A_110] : memref<819200x128xf32, #tpu.memory_space<hbm>> -> memref<128x64xf32, #tpu.memory_space<hbm>>
    %dma_wait3A_112 = arith.constant 0 : i32
    %dma_wait3A_113 = tpu.memref_slice %arg4[%mul3A_109, %dma_wait3A_112] : memref<819200x128xf32, #tpu.memory_space<hbm>> -> memref<128x64xf32, #tpu.memory_space<hbm>>
    tpu.wait_dma2 semaphore(%arg23 : memref<!tpu.dma_semaphore, #tpu.memory_space<semaphore_mem>>) src(%arg7 : memref<128x64xf32, #tpu.memory_space<vmem>>) dst(%dma_wait3A_113 : memref<128x64xf32, #tpu.memory_space<hbm>>)
    %dma_wait3A_114 = arith.constant 194 : i32
    %dma_wait3A_115 = arith.constant 0 : i32
    %dma_wait3A_116 = tpu.memref_slice %arg5[%dma_wait3A_114, %dma_wait3A_115] : memref<200x128xi32, #tpu.memory_space<vmem>> -> memref<1x128xi32, #tpu.memory_space<vmem>>
    %dma_wait3A_117 = tpu.memref_squeeze %dma_wait3A_116 : memref<1x128xi32, #tpu.memory_space<vmem>> -> memref<128xi32, #tpu.memory_space<vmem>>
    %dma_wait3A_118 = arith.constant 0 : i32
    %dma_wait3A_119 = arith.constant 0 : i32
    %dma_wait3A_120 = tpu.memref_slice %arg3[%dma_wait3A_118, %dma_wait3A_119] : memref<1000000x64xf32, #tpu.memory_space<hbm>> -> memref<1000000x64xf32, #tpu.memory_space<hbm>>
    tpu.wait_indirect_dma semaphore(%arg16 : memref<!tpu.dma_semaphore, #tpu.memory_space<semaphore_mem>>) src(%dma_wait3A_120 : memref<1000000x64xf32, #tpu.memory_space<hbm>>) dst(%arg8 : memref<128x64xf32, #tpu.memory_space<vmem>>)
    %mul3A_121 = arith.constant 200 : i32
    %mul3A_122 = arith.muli %add3A, %mul3A_121 : i32
    %add3A_123 = arith.constant 194 : i32
    %add3A_124 = arith.addi %mul3A_122, %add3A_123 : i32
    %mul3A_125 = arith.constant 128 : i32
    %mul3A_126 = arith.muli %add3A_124, %mul3A_125 : i32
    %dma_start3A_127 = arith.constant 0 : i32
    %dma_start3A_128 = tpu.memref_slice %arg4[%mul3A_126, %dma_start3A_127] : memref<819200x128xf32, #tpu.memory_space<hbm>> -> memref<128x64xf32, #tpu.memory_space<hbm>>
    %dma_start3A_129 = arith.constant 0 : i32
    %dma_start3A_130 = tpu.memref_slice %arg4[%mul3A_126, %dma_start3A_129] : memref<819200x128xf32, #tpu.memory_space<hbm>> -> memref<128x64xf32, #tpu.memory_space<hbm>>
    tpu.enqueue_dma source(%arg8 : memref<128x64xf32, #tpu.memory_space<vmem>>) target(%dma_start3A_130 : memref<128x64xf32, #tpu.memory_space<hbm>>) target_semaphore(%arg24 : memref<!tpu.dma_semaphore, #tpu.memory_space<semaphore_mem>>)
    %mul3A_131 = arith.constant 200 : i32
    %mul3A_132 = arith.muli %add3A, %mul3A_131 : i32
    %add3A_133 = arith.constant 194 : i32
    %add3A_134 = arith.addi %mul3A_132, %add3A_133 : i32
    %mul3A_135 = arith.constant 128 : i32
    %mul3A_136 = arith.muli %add3A_134, %mul3A_135 : i32
    %dma_wait3A_137 = arith.constant 0 : i32
    %dma_wait3A_138 = tpu.memref_slice %arg4[%mul3A_136, %dma_wait3A_137] : memref<819200x128xf32, #tpu.memory_space<hbm>> -> memref<128x64xf32, #tpu.memory_space<hbm>>
    %dma_wait3A_139 = arith.constant 0 : i32
    %dma_wait3A_140 = tpu.memref_slice %arg4[%mul3A_136, %dma_wait3A_139] : memref<819200x128xf32, #tpu.memory_space<hbm>> -> memref<128x64xf32, #tpu.memory_space<hbm>>
    tpu.wait_dma2 semaphore(%arg24 : memref<!tpu.dma_semaphore, #tpu.memory_space<semaphore_mem>>) src(%arg8 : memref<128x64xf32, #tpu.memory_space<vmem>>) dst(%dma_wait3A_140 : memref<128x64xf32, #tpu.memory_space<hbm>>)
    %dma_wait3A_141 = arith.constant 195 : i32
    %dma_wait3A_142 = arith.constant 0 : i32
    %dma_wait3A_143 = tpu.memref_slice %arg5[%dma_wait3A_141, %dma_wait3A_142] : memref<200x128xi32, #tpu.memory_space<vmem>> -> memref<1x128xi32, #tpu.memory_space<vmem>>
    %dma_wait3A_144 = tpu.memref_squeeze %dma_wait3A_143 : memref<1x128xi32, #tpu.memory_space<vmem>> -> memref<128xi32, #tpu.memory_space<vmem>>
    %dma_wait3A_145 = arith.constant 0 : i32
    %dma_wait3A_146 = arith.constant 0 : i32
    %dma_wait3A_147 = tpu.memref_slice %arg3[%dma_wait3A_145, %dma_wait3A_146] : memref<1000000x64xf32, #tpu.memory_space<hbm>> -> memref<1000000x64xf32, #tpu.memory_space<hbm>>
    tpu.wait_indirect_dma semaphore(%arg17 : memref<!tpu.dma_semaphore, #tpu.memory_space<semaphore_mem>>) src(%dma_wait3A_147 : memref<1000000x64xf32, #tpu.memory_space<hbm>>) dst(%arg9 : memref<128x64xf32, #tpu.memory_space<vmem>>)
    %mul3A_148 = arith.constant 200 : i32
    %mul3A_149 = arith.muli %add3A, %mul3A_148 : i32
    %add3A_150 = arith.constant 195 : i32
    %add3A_151 = arith.addi %mul3A_149, %add3A_150 : i32
    %mul3A_152 = arith.constant 128 : i32
    %mul3A_153 = arith.muli %add3A_151, %mul3A_152 : i32
    %dma_start3A_154 = arith.constant 0 : i32
    %dma_start3A_155 = tpu.memref_slice %arg4[%mul3A_153, %dma_start3A_154] : memref<819200x128xf32, #tpu.memory_space<hbm>> -> memref<128x64xf32, #tpu.memory_space<hbm>>
    %dma_start3A_156 = arith.constant 0 : i32
    %dma_start3A_157 = tpu.memref_slice %arg4[%mul3A_153, %dma_start3A_156] : memref<819200x128xf32, #tpu.memory_space<hbm>> -> memref<128x64xf32, #tpu.memory_space<hbm>>
    tpu.enqueue_dma source(%arg9 : memref<128x64xf32, #tpu.memory_space<vmem>>) target(%dma_start3A_157 : memref<128x64xf32, #tpu.memory_space<hbm>>) target_semaphore(%arg25 : memref<!tpu.dma_semaphore, #tpu.memory_space<semaphore_mem>>)
    %mul3A_158 = arith.constant 200 : i32
    %mul3A_159 = arith.muli %add3A, %mul3A_158 : i32
    %add3A_160 = arith.constant 195 : i32
    %add3A_161 = arith.addi %mul3A_159, %add3A_160 : i32
    %mul3A_162 = arith.constant 128 : i32
    %mul3A_163 = arith.muli %add3A_161, %mul3A_162 : i32
    %dma_wait3A_164 = arith.constant 0 : i32
    %dma_wait3A_165 = tpu.memref_slice %arg4[%mul3A_163, %dma_wait3A_164] : memref<819200x128xf32, #tpu.memory_space<hbm>> -> memref<128x64xf32, #tpu.memory_space<hbm>>
    %dma_wait3A_166 = arith.constant 0 : i32
    %dma_wait3A_167 = tpu.memref_slice %arg4[%mul3A_163, %dma_wait3A_166] : memref<819200x128xf32, #tpu.memory_space<hbm>> -> memref<128x64xf32, #tpu.memory_space<hbm>>
    tpu.wait_dma2 semaphore(%arg25 : memref<!tpu.dma_semaphore, #tpu.memory_space<semaphore_mem>>) src(%arg9 : memref<128x64xf32, #tpu.memory_space<vmem>>) dst(%dma_wait3A_167 : memref<128x64xf32, #tpu.memory_space<hbm>>)
    %dma_wait3A_168 = arith.constant 196 : i32
    %dma_wait3A_169 = arith.constant 0 : i32
    %dma_wait3A_170 = tpu.memref_slice %arg5[%dma_wait3A_168, %dma_wait3A_169] : memref<200x128xi32, #tpu.memory_space<vmem>> -> memref<1x128xi32, #tpu.memory_space<vmem>>
    %dma_wait3A_171 = tpu.memref_squeeze %dma_wait3A_170 : memref<1x128xi32, #tpu.memory_space<vmem>> -> memref<128xi32, #tpu.memory_space<vmem>>
    %dma_wait3A_172 = arith.constant 0 : i32
    %dma_wait3A_173 = arith.constant 0 : i32
    %dma_wait3A_174 = tpu.memref_slice %arg3[%dma_wait3A_172, %dma_wait3A_173] : memref<1000000x64xf32, #tpu.memory_space<hbm>> -> memref<1000000x64xf32, #tpu.memory_space<hbm>>
    tpu.wait_indirect_dma semaphore(%arg18 : memref<!tpu.dma_semaphore, #tpu.memory_space<semaphore_mem>>) src(%dma_wait3A_174 : memref<1000000x64xf32, #tpu.memory_space<hbm>>) dst(%arg10 : memref<128x64xf32, #tpu.memory_space<vmem>>)
    %mul3A_175 = arith.constant 200 : i32
    %mul3A_176 = arith.muli %add3A, %mul3A_175 : i32
    %add3A_177 = arith.constant 196 : i32
    %add3A_178 = arith.addi %mul3A_176, %add3A_177 : i32
    %mul3A_179 = arith.constant 128 : i32
    %mul3A_180 = arith.muli %add3A_178, %mul3A_179 : i32
    %dma_start3A_181 = arith.constant 0 : i32
    %dma_start3A_182 = tpu.memref_slice %arg4[%mul3A_180, %dma_start3A_181] : memref<819200x128xf32, #tpu.memory_space<hbm>> -> memref<128x64xf32, #tpu.memory_space<hbm>>
    %dma_start3A_183 = arith.constant 0 : i32
    %dma_start3A_184 = tpu.memref_slice %arg4[%mul3A_180, %dma_start3A_183] : memref<819200x128xf32, #tpu.memory_space<hbm>> -> memref<128x64xf32, #tpu.memory_space<hbm>>
    tpu.enqueue_dma source(%arg10 : memref<128x64xf32, #tpu.memory_space<vmem>>) target(%dma_start3A_184 : memref<128x64xf32, #tpu.memory_space<hbm>>) target_semaphore(%arg26 : memref<!tpu.dma_semaphore, #tpu.memory_space<semaphore_mem>>)
    %mul3A_185 = arith.constant 200 : i32
    %mul3A_186 = arith.muli %add3A, %mul3A_185 : i32
    %add3A_187 = arith.constant 196 : i32
    %add3A_188 = arith.addi %mul3A_186, %add3A_187 : i32
    %mul3A_189 = arith.constant 128 : i32
    %mul3A_190 = arith.muli %add3A_188, %mul3A_189 : i32
    %dma_wait3A_191 = arith.constant 0 : i32
    %dma_wait3A_192 = tpu.memref_slice %arg4[%mul3A_190, %dma_wait3A_191] : memref<819200x128xf32, #tpu.memory_space<hbm>> -> memref<128x64xf32, #tpu.memory_space<hbm>>
    %dma_wait3A_193 = arith.constant 0 : i32
    %dma_wait3A_194 = tpu.memref_slice %arg4[%mul3A_190, %dma_wait3A_193] : memref<819200x128xf32, #tpu.memory_space<hbm>> -> memref<128x64xf32, #tpu.memory_space<hbm>>
    tpu.wait_dma2 semaphore(%arg26 : memref<!tpu.dma_semaphore, #tpu.memory_space<semaphore_mem>>) src(%arg10 : memref<128x64xf32, #tpu.memory_space<vmem>>) dst(%dma_wait3A_194 : memref<128x64xf32, #tpu.memory_space<hbm>>)
    %dma_wait3A_195 = arith.constant 197 : i32
    %dma_wait3A_196 = arith.constant 0 : i32
    %dma_wait3A_197 = tpu.memref_slice %arg5[%dma_wait3A_195, %dma_wait3A_196] : memref<200x128xi32, #tpu.memory_space<vmem>> -> memref<1x128xi32, #tpu.memory_space<vmem>>
    %dma_wait3A_198 = tpu.memref_squeeze %dma_wait3A_197 : memref<1x128xi32, #tpu.memory_space<vmem>> -> memref<128xi32, #tpu.memory_space<vmem>>
    %dma_wait3A_199 = arith.constant 0 : i32
    %dma_wait3A_200 = arith.constant 0 : i32
    %dma_wait3A_201 = tpu.memref_slice %arg3[%dma_wait3A_199, %dma_wait3A_200] : memref<1000000x64xf32, #tpu.memory_space<hbm>> -> memref<1000000x64xf32, #tpu.memory_space<hbm>>
    tpu.wait_indirect_dma semaphore(%arg19 : memref<!tpu.dma_semaphore, #tpu.memory_space<semaphore_mem>>) src(%dma_wait3A_201 : memref<1000000x64xf32, #tpu.memory_space<hbm>>) dst(%arg11 : memref<128x64xf32, #tpu.memory_space<vmem>>)
    %mul3A_202 = arith.constant 200 : i32
    %mul3A_203 = arith.muli %add3A, %mul3A_202 : i32
    %add3A_204 = arith.constant 197 : i32
    %add3A_205 = arith.addi %mul3A_203, %add3A_204 : i32
    %mul3A_206 = arith.constant 128 : i32
    %mul3A_207 = arith.muli %add3A_205, %mul3A_206 : i32
    %dma_start3A_208 = arith.constant 0 : i32
    %dma_start3A_209 = tpu.memref_slice %arg4[%mul3A_207, %dma_start3A_208] : memref<819200x128xf32, #tpu.memory_space<hbm>> -> memref<128x64xf32, #tpu.memory_space<hbm>>
    %dma_start3A_210 = arith.constant 0 : i32
    %dma_start3A_211 = tpu.memref_slice %arg4[%mul3A_207, %dma_start3A_210] : memref<819200x128xf32, #tpu.memory_space<hbm>> -> memref<128x64xf32, #tpu.memory_space<hbm>>
    tpu.enqueue_dma source(%arg11 : memref<128x64xf32, #tpu.memory_space<vmem>>) target(%dma_start3A_211 : memref<128x64xf32, #tpu.memory_space<hbm>>) target_semaphore(%arg27 : memref<!tpu.dma_semaphore, #tpu.memory_space<semaphore_mem>>)
    %mul3A_212 = arith.constant 200 : i32
    %mul3A_213 = arith.muli %add3A, %mul3A_212 : i32
    %add3A_214 = arith.constant 197 : i32
    %add3A_215 = arith.addi %mul3A_213, %add3A_214 : i32
    %mul3A_216 = arith.constant 128 : i32
    %mul3A_217 = arith.muli %add3A_215, %mul3A_216 : i32
    %dma_wait3A_218 = arith.constant 0 : i32
    %dma_wait3A_219 = tpu.memref_slice %arg4[%mul3A_217, %dma_wait3A_218] : memref<819200x128xf32, #tpu.memory_space<hbm>> -> memref<128x64xf32, #tpu.memory_space<hbm>>
    %dma_wait3A_220 = arith.constant 0 : i32
    %dma_wait3A_221 = tpu.memref_slice %arg4[%mul3A_217, %dma_wait3A_220] : memref<819200x128xf32, #tpu.memory_space<hbm>> -> memref<128x64xf32, #tpu.memory_space<hbm>>
    tpu.wait_dma2 semaphore(%arg27 : memref<!tpu.dma_semaphore, #tpu.memory_space<semaphore_mem>>) src(%arg11 : memref<128x64xf32, #tpu.memory_space<vmem>>) dst(%dma_wait3A_221 : memref<128x64xf32, #tpu.memory_space<hbm>>)
    %dma_wait3A_222 = arith.constant 198 : i32
    %dma_wait3A_223 = arith.constant 0 : i32
    %dma_wait3A_224 = tpu.memref_slice %arg5[%dma_wait3A_222, %dma_wait3A_223] : memref<200x128xi32, #tpu.memory_space<vmem>> -> memref<1x128xi32, #tpu.memory_space<vmem>>
    %dma_wait3A_225 = tpu.memref_squeeze %dma_wait3A_224 : memref<1x128xi32, #tpu.memory_space<vmem>> -> memref<128xi32, #tpu.memory_space<vmem>>
    %dma_wait3A_226 = arith.constant 0 : i32
    %dma_wait3A_227 = arith.constant 0 : i32
    %dma_wait3A_228 = tpu.memref_slice %arg3[%dma_wait3A_226, %dma_wait3A_227] : memref<1000000x64xf32, #tpu.memory_space<hbm>> -> memref<1000000x64xf32, #tpu.memory_space<hbm>>
    tpu.wait_indirect_dma semaphore(%arg20 : memref<!tpu.dma_semaphore, #tpu.memory_space<semaphore_mem>>) src(%dma_wait3A_228 : memref<1000000x64xf32, #tpu.memory_space<hbm>>) dst(%arg12 : memref<128x64xf32, #tpu.memory_space<vmem>>)
    %mul3A_229 = arith.constant 200 : i32
    %mul3A_230 = arith.muli %add3A, %mul3A_229 : i32
    %add3A_231 = arith.constant 198 : i32
    %add3A_232 = arith.addi %mul3A_230, %add3A_231 : i32
    %mul3A_233 = arith.constant 128 : i32
    %mul3A_234 = arith.muli %add3A_232, %mul3A_233 : i32
    %dma_start3A_235 = arith.constant 0 : i32
    %dma_start3A_236 = tpu.memref_slice %arg4[%mul3A_234, %dma_start3A_235] : memref<819200x128xf32, #tpu.memory_space<hbm>> -> memref<128x64xf32, #tpu.memory_space<hbm>>
    %dma_start3A_237 = arith.constant 0 : i32
    %dma_start3A_238 = tpu.memref_slice %arg4[%mul3A_234, %dma_start3A_237] : memref<819200x128xf32, #tpu.memory_space<hbm>> -> memref<128x64xf32, #tpu.memory_space<hbm>>
    tpu.enqueue_dma source(%arg12 : memref<128x64xf32, #tpu.memory_space<vmem>>) target(%dma_start3A_238 : memref<128x64xf32, #tpu.memory_space<hbm>>) target_semaphore(%arg28 : memref<!tpu.dma_semaphore, #tpu.memory_space<semaphore_mem>>)
    %mul3A_239 = arith.constant 200 : i32
    %mul3A_240 = arith.muli %add3A, %mul3A_239 : i32
    %add3A_241 = arith.constant 198 : i32
    %add3A_242 = arith.addi %mul3A_240, %add3A_241 : i32
    %mul3A_243 = arith.constant 128 : i32
    %mul3A_244 = arith.muli %add3A_242, %mul3A_243 : i32
    %dma_wait3A_245 = arith.constant 0 : i32
    %dma_wait3A_246 = tpu.memref_slice %arg4[%mul3A_244, %dma_wait3A_245] : memref<819200x128xf32, #tpu.memory_space<hbm>> -> memref<128x64xf32, #tpu.memory_space<hbm>>
    %dma_wait3A_247 = arith.constant 0 : i32
    %dma_wait3A_248 = tpu.memref_slice %arg4[%mul3A_244, %dma_wait3A_247] : memref<819200x128xf32, #tpu.memory_space<hbm>> -> memref<128x64xf32, #tpu.memory_space<hbm>>
    tpu.wait_dma2 semaphore(%arg28 : memref<!tpu.dma_semaphore, #tpu.memory_space<semaphore_mem>>) src(%arg12 : memref<128x64xf32, #tpu.memory_space<vmem>>) dst(%dma_wait3A_248 : memref<128x64xf32, #tpu.memory_space<hbm>>)
    %dma_wait3A_249 = arith.constant 199 : i32
    %dma_wait3A_250 = arith.constant 0 : i32
    %dma_wait3A_251 = tpu.memref_slice %arg5[%dma_wait3A_249, %dma_wait3A_250] : memref<200x128xi32, #tpu.memory_space<vmem>> -> memref<1x128xi32, #tpu.memory_space<vmem>>
    %dma_wait3A_252 = tpu.memref_squeeze %dma_wait3A_251 : memref<1x128xi32, #tpu.memory_space<vmem>> -> memref<128xi32, #tpu.memory_space<vmem>>
    %dma_wait3A_253 = arith.constant 0 : i32
    %dma_wait3A_254 = arith.constant 0 : i32
    %dma_wait3A_255 = tpu.memref_slice %arg3[%dma_wait3A_253, %dma_wait3A_254] : memref<1000000x64xf32, #tpu.memory_space<hbm>> -> memref<1000000x64xf32, #tpu.memory_space<hbm>>
    tpu.wait_indirect_dma semaphore(%arg21 : memref<!tpu.dma_semaphore, #tpu.memory_space<semaphore_mem>>) src(%dma_wait3A_255 : memref<1000000x64xf32, #tpu.memory_space<hbm>>) dst(%arg13 : memref<128x64xf32, #tpu.memory_space<vmem>>)
    %mul3A_256 = arith.constant 200 : i32
    %mul3A_257 = arith.muli %add3A, %mul3A_256 : i32
    %add3A_258 = arith.constant 199 : i32
    %add3A_259 = arith.addi %mul3A_257, %add3A_258 : i32
    %mul3A_260 = arith.constant 128 : i32
    %mul3A_261 = arith.muli %add3A_259, %mul3A_260 : i32
    %dma_start3A_262 = arith.constant 0 : i32
    %dma_start3A_263 = tpu.memref_slice %arg4[%mul3A_261, %dma_start3A_262] : memref<819200x128xf32, #tpu.memory_space<hbm>> -> memref<128x64xf32, #tpu.memory_space<hbm>>
    %dma_start3A_264 = arith.constant 0 : i32
    %dma_start3A_265 = tpu.memref_slice %arg4[%mul3A_261, %dma_start3A_264] : memref<819200x128xf32, #tpu.memory_space<hbm>> -> memref<128x64xf32, #tpu.memory_space<hbm>>
    tpu.enqueue_dma source(%arg13 : memref<128x64xf32, #tpu.memory_space<vmem>>) target(%dma_start3A_265 : memref<128x64xf32, #tpu.memory_space<hbm>>) target_semaphore(%arg29 : memref<!tpu.dma_semaphore, #tpu.memory_space<semaphore_mem>>)
    %mul3A_266 = arith.constant 200 : i32
    %mul3A_267 = arith.muli %add3A, %mul3A_266 : i32
    %add3A_268 = arith.constant 199 : i32
    %add3A_269 = arith.addi %mul3A_267, %add3A_268 : i32
    %mul3A_270 = arith.constant 128 : i32
    %mul3A_271 = arith.muli %add3A_269, %mul3A_270 : i32
    %dma_wait3A_272 = arith.constant 0 : i32
    %dma_wait3A_273 = tpu.memref_slice %arg4[%mul3A_271, %dma_wait3A_272] : memref<819200x128xf32, #tpu.memory_space<hbm>> -> memref<128x64xf32, #tpu.memory_space<hbm>>
    %dma_wait3A_274 = arith.constant 0 : i32
    %dma_wait3A_275 = tpu.memref_slice %arg4[%mul3A_271, %dma_wait3A_274] : memref<819200x128xf32, #tpu.memory_space<hbm>> -> memref<128x64xf32, #tpu.memory_space<hbm>>
    tpu.wait_dma2 semaphore(%arg29 : memref<!tpu.dma_semaphore, #tpu.memory_space<semaphore_mem>>) src(%arg13 : memref<128x64xf32, #tpu.memory_space<vmem>>) dst(%dma_wait3A_275 : memref<128x64xf32, #tpu.memory_space<hbm>>)
    return
  }
}

</mosaic_0001>

<sc_bundles>
// kernel: _run.3.cloned.1.call-start
scs
__scs_entry_jumppad:
0x0: {  	(pc) =	sbr.rel $0x88, $3  }
0x1: {  	(tag) =	ssettag $0x0;
	lr =	simm.s32 $0x1  }
0x2: {  	[smem:$0x3F9F] =	sst lr;
	_ =	strace $0xD0000000  }
0x3: {  	_ = 	snop  }
0x4: {  	_ = 	snop  }
0x5: {  	_ = 	snop  }
0x6: {  	_ = 	snop  }
0x7: {  	_ = 	snop  }
__scs_overlays_trampoline_lowered:
0x8: {  	[smem:$0x3FAE] =	sst s0  }
0x9: {  	[smem:$0x3FAF] =	sst s1  }
0xa: {  	[smem:$0x3FB0] =	sst s2  }
0xb: {  	[smem:$0x3FB1] =	sst s3  }
0xc: {  	[smem:$0x3FB2] =	sst s4  }
0xd: {  	[smem:$0x3FB3] =	sst s5  }
0xe: {  	[smem:$0x3FB4] =	sst s6  }
0xf: {  	[smem:$0x3FB5] =	sst s7  }
0x10: {  	[smem:$0x3FB6] =	sst s8  }
0x11: {  	[smem:$0x3FB7] =	sst s9;
	s0 =	simm.s32 @!p0 $0x0  }
0x12: {  	s1 =	sld [smem:$0x3F9D];
	s0 =	simm.s32 @p0 $0x1  }
0x13: {  	[smem:$0x3FB8] =	sst s0;
	s0 =	simm.s32 @!p1 $0x0  }
0x14: {  	s2 =	sld [smem:$0x3F9C];
	s0 =	simm.s32 @p1 $0x1  }
0x15: {  	[smem:$0x3FB9] =	sst s0;
	s0 =	simm.s32 @!p2 $0x0  }
0x16: {  	s3 =	sld [smem:$0x3FDB];
	s0 =	simm.s32 @p2 $0x1  }
0x17: {  	s4 =	simm.s32 $0x1BF5;
	[smem:$0x3FBB] =	sst s0  }
0x18: {  	s0 =	sld [smem:$0x3F9E];
	_ =	swait.ge [sflag:s4], $0x0  }
0x19: {  	s7 =	sld [smem:$0x3F9F]  }
0x1a: {  	s8 =	sadd.s32 $0xFFFFE003, lr  }
0x1b: {  	s9 =	sadd.s32 $0xFFFFFEF7, lr;
	s5 =	simm.s32 $0xFFFFFFFF;
	p2 =	slt.u32 s8, $0xFFFFF086  }
0x1c: {  	p1 =	slt.u32 s9, $0xF7A;
	s5 =	simm.s32 @!p2 $0x0  }
0x1d: {  	s5 =	simm.s32 @p1 $0x1;
	p0 =	seq.s32 s7, s2  }
0x1e: {  	s7 =	smul.u32 @!p0 $0xF7A, s2;
	p2 =	seq.s32 @!p0 s5, $0x0  }
0x1f: {  	s9 =	smul.u32 $0xF7A, s1;
	s8 =	simm.s32 @!p0 $0x1BF5;
	p2 =	por !p2, p0  }
0x20: {  	[sflag:s8] =	ssyncset.s32 @!p0 $0xFFFFF086;
	s6 =	sadd.s32 @!p0 s3, s7;
	s7 =	simm.s32 @!p0 $0x108  }
0x21: {  	s3 =	sadd.s32 s3, s9;
	s6 =	sadd.s32 @!p0 $0x88, s6;
	s7 =	simm.s32 @p2 $0x1082  }
0x22: {  	[simem:s7], [sflag:s8] =	dma.local @!p0 [hbm:s6], $0xF7A  }
0x23: {  	s9 =	sor.u32 $0xD0000000, s2;
	s6 =	simm.s32 $0x108;
	_ =	swait.ge @!p0 [sflag:s8], $0x0  }
0x24: {  	s3 =	sadd.s32 $0x88, s3;
	s6 =	simm.s32 @!p1 $0x1082;
	[sflag:s4] =	ssyncset.s32 $0xFFFFF086  }
0x25: {  	[simem:s6], [sflag:s4] =	dma.local [hbm:s3], $0xF7A  }
0x26: {  	[smem:$0x3F9F] =	sst s1;
	(tag) =	ssettag s2;
	_ =	strace s9  }
0x27: {  	s1 =	sld [smem:$0x3FAF]  }
0x28: {  	s2 =	sld [smem:$0x3FB0]  }
0x29: {  	s4 =	sld [smem:$0x3FB2]  }
0x2a: {  	p0 =	seq.s32 s5, $0x0;
	s5 =	sld [smem:$0x3FB3]  }
0x2b: {  	s6 =	sld [smem:$0x3FB4]  }
0x2c: {  	s7 =	sld [smem:$0x3FB5]  }
0x2d: {  	s3 =	simm.s32 $0x108;
	s8 =	sld [smem:$0x3FB6]  }
0x2e: {  	s3 =	simm.s32 @!p0 $0x1082;
	s9 =	sld [smem:$0x3FB7]  }
0x2f: {  	lr =	sadd.s32 s0, s3;
	s0 =	sld [smem:$0x3FAE]  }
0x30: {  	s3 =	sld [smem:$0x3FB1]  }
0x31: {  	[smem:$0x3FBA] =	sst s10  }
0x32: {  	s10 =	sld [smem:$0x3FB8];
	_ =	sdelay $0x3  }
0x33: {  	p0 =	seq.s32 s10, $0x1;
	s10 =	sld [smem:$0x3FBA];
	_ =	sdelay $0x3  }
0x34: {  	[smem:$0x3FBA] =	sst s10  }
0x35: {  	s10 =	sld [smem:$0x3FB9];
	_ =	sdelay $0x3  }
0x36: {  	p1 =	seq.s32 s10, $0x1;
	s10 =	sld [smem:$0x3FBA];
	_ =	sdelay $0x3  }
0x37: {  	[smem:$0x3FBA] =	sst s10  }
0x38: {  	s10 =	sld [smem:$0x3FBB]  }
0x39: {  	_ = 	snop;
	(pc) =	sbr.ind lr, $3  }
0x3a: {  	_ = 	snop  }
0x3b: {  	_ = 	snop  }
0x3c: {  	p2 =	seq.s32 s10, $0x1;
	s10 =	sld [smem:$0x3FBA]  }
0x3d: {  	_ =	shalt  }
0x3e: {  	_ =	shalt  }
0x3f: {  	_ =	shalt  }
0x40: {  	_ =	shalt  }
0x41: {  	_ =	shalt  }
0x42: {  	_ =	shalt  }
0x43: {  	_ =	shalt  }
0x44: {  	_ =	shalt  }
0x45: {  	_ =	shalt  }
0x46: {  	_ =	shalt  }
0x47: {  	_ =	shalt  }
0x48: {  	_ =	shalt  }
0x49: {  	_ =	shalt  }
0x4a: {  	_ =	shalt  }
0x4b: {  	_ =	shalt  }
0x4c: {  	_ =	shalt  }
0x4d: {  	_ =	shalt  }
0x4e: {  	_ =	shalt  }
0x4f: {  	_ =	shalt  }
0x50: {  	_ =	shalt  }
0x51: {  	_ =	shalt  }
0x52: {  	_ =	shalt  }
0x53: {  	_ =	shalt  }
0x54: {  	_ =	shalt  }
0x55: {  	_ =	shalt  }
0x56: {  	_ =	shalt  }
0x57: {  	_ =	shalt  }
0x58: {  	_ =	shalt  }
0x59: {  	_ =	shalt  }
0x5a: {  	_ =	shalt  }
0x5b: {  	_ =	shalt  }
0x5c: {  	_ =	shalt  }
0x5d: {  	_ =	shalt  }
0x5e: {  	_ =	shalt  }
0x5f: {  	_ =	shalt  }
0x60: {  	_ =	shalt  }
0x61: {  	_ =	shalt  }
0x62: {  	_ =	shalt  }
0x63: {  	_ =	shalt  }
0x64: {  	_ =	shalt  }
0x65: {  	_ =	shalt  }
0x66: {  	_ =	shalt  }
0x67: {  	_ =	shalt  }
0x68: {  	_ =	shalt  }
0x69: {  	_ =	shalt  }
0x6a: {  	_ =	shalt  }
0x6b: {  	_ =	shalt  }
0x6c: {  	_ =	shalt  }
0x6d: {  	_ =	shalt  }
0x6e: {  	_ =	shalt  }
0x6f: {  	_ =	shalt  }
0x70: {  	_ =	shalt  }
0x71: {  	_ =	shalt  }
0x72: {  	_ =	shalt  }
0x73: {  	_ =	shalt  }
0x74: {  	_ =	shalt  }
0x75: {  	_ =	shalt  }
0x76: {  	_ =	shalt  }
0x77: {  	_ =	shalt  }
0x78: {  	_ =	shalt  }
0x79: {  	_ =	shalt  }
0x7a: {  	_ =	shalt  }
0x7b: {  	_ =	shalt  }
0x7c: {  	_ =	shalt  }
0x7d: {  	_ =	shalt  }
0x7e: {  	_ =	shalt  }
0x7f: {  	_ =	shalt  }
0x80: {  	_ =	shalt  }
0x81: {  	_ =	shalt  }
0x82: {  	_ =	shalt  }
0x83: {  	_ =	shalt  }
0x84: {  	_ =	shalt  }
0x85: {  	_ =	shalt  }
0x86: {  	_ =	shalt  }
0x87: {  	_ =	shalt  }
.Lfunc_end0:
.L_simem_size_0:
called_computation_lowered:
.L_overlay_start_0:
0x88: {  	s2 =	sld [smem:$0x3FD9]  }
0x89: {  	s3 =	sld [smem:$0x3FFE];
	_ =	sdelay $0x1  }
0x8a: {  	s1 =	srdreg.scid  }
0x8b: {  	s0 =	sand.u32 $0x1, s1  }
0x8c: {  	s17 =	sshll.u32 s0, $0xA;
	s2 =	sadd.s32 s3, s2  }
0x8d: {  	s2 =	sadd.s32 s2, s17  }
0x8e: {  	[smem:$0x3FC6] =	sst s2  }
0x8f: {  	_ = 	snop  }
0x90: {  	s2 =	sld [smem:$0x3FC9]  }
0x91: {  	s18 =	sld [smem:$0x3FD0];
	(tm) =	ssettm $0x1  }
0x92: {  	s4 =	sld [smem:$0x3FFB];
	_ =	sdelay $0x3  }
0x93: {  	_ =	strace s4  }
0x94: {  	s4 =	sld [smem:$0x3FFC];
	_ =	sdelay $0x3  }
0x95: {  	_ =	strace s4  }
0x96: {  	s4 =	sld [smem:$0x3FFD];
	_ =	sdelay $0x3  }
0x97: {  	_ =	strace s4  }
0x98: {  	_ =	strace $0x8FFFFFFF  }
0x99: {  	s19 =	sld [smem:$0x3FDB];
	_ =	sdelay $0x1  }
0x9a: {  	s5 =	simm.s32 $_scs_section_size  }
0x9b: {  	s6 =	simm.s32 $_size__tile_overlayer_lowered;
	s7 =	simm.s32 $_tile_overlayer_lowered  }
0x9c: {  	s22 =	simm.s32 $0x1BFF;
	s21 =	sshll.u32 s7, $0x1;
	s4 =	sadd.s32 s5, s19  }
0x9d: {  	s8 =	simm.s32 $0x0;
	s20 =	sshll.u32 s6, $0x1;
	s6 =	sadd.s32 s21, s4  }
0x9e: {  	[timem:s8], [sflag:s22] =	dma.local [hbm:s6], s20  }
0x9f: {  	_ =	swait.ge [sflag:s22], s20  }
0xa0: {  	s5 =	ssub.s32 $0x0, s20;
	[sflag:s22] =	ssyncset.done $0x0  }
0xa1: {  	[sflag:s22] =	ssyncadd.s32 s5;
	_ =	sdelay $0x1  }
0xa2: {  	s23 =	simm.s32 $0x1B8B  }
0xa3: {  	_ =	swait.ge [sflag:s23], $0x1  }
0xa4: {  	[sflag:s23] =	ssyncset.done $0x0  }
0xa5: {  	s25 =	simm.s32 $0x1B8E;
	s24 =	sld [smem:$0x3FFE];
	[sflag:s23] =	ssyncadd.s32 $0xFFFFFFFF  }
0xa6: {  	s26 =	simm.s32 $execute0_lowered;
	[smem:$0x3FD2] =	sst s25  }
0xa7: {  	s6 =	sshll.u32 s26, $0x1;
	_ =	strace $0x80000046;
	[dreg:$0x1] =	wrdreg $0xFFFFFFFF  }
0xa8: {  	s28 =	simm.s32 $_size_execute0_lowered;
	s4 =	sadd.s32 s4, s6;
	[dreg:$0x0] =	wrdreg $0x0  }
0xa9: {  	s6 =	sshll.u32 s28, $0x1;
	[dreg:$0x2] =	wrdreg s4  }
0xaa: {  	[dreg:$0x3] =	wrdreg s6  }
0xab: {  	[dreg:$0x4] =	wrdreg $0xC0  }
0xac: {  	_ =	task [dreg:s8], $0x5FFFF  }
0xad: {  	[dreg:$0x1] =	wrdreg $0xFFFFFFFF  }
0xae: {  	[dreg:$0x0] =	wrdreg $0x60  }
0xaf: {  	[dreg:$0x2] =	wrdreg s2  }
0xb0: {  	[dreg:$0x3] =	wrdreg s24  }
0xb1: {  	[dreg:$0x4] =	wrdreg s18  }
0xb2: {  	[dreg:$0x5] =	wrdreg $0x9  }
0xb3: {  	_ =	task.clear_ibuf [dreg:s8], $0x6FFFF;
	_ =	strace $0x90000046  }
0xb4: {  	s29 =	simm.s32 $0x9;
	_ =	strace $0x80000048  }
0xb5: {  	_ =	swait.ge [sflag:s29], $0x1  }
0xb6: {  	[sflag:s29] =	ssyncadd.s32 $0xFFFFFFFF  }
0xb7: {  	_ =	strace $0x90000048  }
0xb8: {  	_ =	sfence  }
0xb9: {  	s30 =	sld [smem:$0x0];
	_ =	sdelay $0x2  }
0xba: {  	s31 =	sshll.u32 s1, $0xD;
	s1 =	sshrl.u32 s1, $0x2  }
0xbb: {  	s3 =	sand.u32 $0x4000, s31;
	s1 =	sadd.s32 s1, s30  }
0xbc: {  	s0 =	sor.u32 s3, s0;
	s1 =	sshll.u32 s1, $0x11  }
0xbd: {  	s0 =	sor.u32 s1, s0  }
0xbe: {  	s0 =	sadd.s32 $0x8F2B, s0  }
0xbf: {  	[sflag:s0] =	ssyncadd.remote.s32 $0x1  }
0xc0: {  	_ =	sfence.sel $0xFFFF  }
0xc1: {  	[dreg:$0x0] =	wrdreg $0xFFFFFFFF;
	(pc) =	sbr.abs _section_cstart, $3  }
0xc2: {  	[dreg:$0x1] =	wrdreg $0xFFFFFFFF  }
0xc3: {  	_ =	task.clear_ibuf [dreg:s8], $0x2FFFF;
	_ =	strace $0x9FFFFFFF  }
0xc4: {  	(tm) =	ssettm $0x7FFFFFFF  }
0xc5: {  	_ =	shalt  }
tec
execute0_lowered:
.L_overlay_start_1:
0x0: {  	(tag) =	ssettag $0x1  }
0x1: {  	s0 =	rddreg [dreg:$0x0]  }
0x2: {  	s1 =	rddreg [dreg:$0x1]  }
0x3: {  	s8 =	rddreg [dreg:$0x2];
	s2 =	srdreg.scid  }
0x4: {  	s9 =	stileid.u32;
	s4 =	simm.s32 $0x0;
	s29 =	simm.s32 $0x3  }
0x5: {  	s31 =	simm.s32 $0xB;
	s10 =	simm.s32 $0x7;
	s6 =	smul.u32 $0x190, s9  }
0x6: {  	s2 =	sand.u32 $0x1, s2;
	s3 =	sshll.u32 s9, $0x1;
	s23 =	smul.u32 $0xC8000, s9  }
0x7: {  	[smem:$0x7FF] =	sst s4;
	s4 =	sadd.s32 $0xF42800, s1;
	s14 =	smul.u32 $0xC8, s2  }
0x8: {  	s3 =	sor.u32 s2, s3;
	s13 =	ssub.s32 $0x2, s2;
	s2 =	smul.u32 $0x64000, s2  }
0x9: {  	_ =	strace $0x80000047;
	s12 =	smul.u32 $0xC80, s3;
	s7 =	sshrl.u32 s13, $0x1  }
0xa: {  	s5 =	smul.u32 $0x320000, s3;
	s3 =	ssub.s32 s13, s7;
	s28 =	sadd.s32 s2, s23  }
0xb: {  	s18 =	sadd.s32 s14, s6;
	s0 =	sadd.s32 s0, s12;
	[dreg:$0x7] =	wrdreg s28  }
0xc: {  	s18 =	sshll.u32 s18, $0xB;
	s30 =	smax.u32 s3, $0x1;
	[dreg:$0x8] =	wrdreg s0  }
0xd: {  	s9 =	simm.s32 $0xE;
	s22 =	sor.u32 $0x3000, s18;
	[dreg:$0x11] =	wrdreg s30  }
0xe: {  	s5 =	sshrl.u32 s5, $0x3;
	s24 =	sor.u32 $0x2000, s18;
	[dreg:$0x4] =	wrdreg s22  }
0xf: {  	s5 =	sadd.s32 s8, s5;
	s26 =	sor.u32 $0x1000, s18;
	[dreg:$0x5] =	wrdreg s24  }
0x10: {  	s6 =	simm.s32 $0x5;
	s15 =	sadd.s32 $0x60000, s5;
	[dreg:$0x6] =	wrdreg s26  }
0x11: {  	s7 =	simm.s32 $0xD;
	s16 =	sadd.s32 $0x60800, s5;
	[dreg:$0x9] =	wrdreg s15  }
0x12: {  	s13 =	simm.s32 $0x8;
	s17 =	sadd.s32 $0x61000, s5;
	[dreg:$0xa] =	wrdreg s16  }
0x13: {  	s14 =	simm.s32 $0x10;
	s19 =	sadd.s32 $0x61800, s5;
	[dreg:$0xb] =	wrdreg s17  }
0x14: {  	s3 =	simm.s32 $0x4;
	s20 =	sadd.s32 $0x62000, s5;
	[dreg:$0xc] =	wrdreg s19  }
0x15: {  	s12 =	simm.s32 $0xF;
	s21 =	sadd.s32 $0x62800, s5;
	[dreg:$0xd] =	wrdreg s20  }
0x16: {  	s8 =	simm.s32 $0x6;
	s25 =	sadd.s32 $0x63000, s5;
	[dreg:$0xe] =	wrdreg s21  }
0x17: {  	s0 =	simm.s32 $0x0;
	s5 =	sadd.s32 $0x63800, s5;
	[dreg:$0xf] =	wrdreg s25  }
0x18: {  	s26 =	simm.s32 $0xA;
	s24 =	simm.s32 $0x14400;
	[dreg:$0x10] =	wrdreg s5  }
0x19: {  	s17 =	simm.s32 $0x80;
	s20 =	simm.s32 $0x40;
	s5 =	simm.s32 $0xC  }
.LBB2_1:
0x1a: {  	[dreg:$0x12] =	wrdreg s0  }
0x1b: {  	s2 =	simm.s32 $0x0;
	s11 =	rddreg [dreg:$0x8];
	s21 =	simm.s32 $0x11  }
0x1c: {  	[tilespmem:s2], [sflag:$0x11] =	stream.linear.gather [hbm4b:s11+s2], $0x6400, $0x38;
	[tilespmem:$0x16400] =	vst v63  }
0x1d: {  	_ =	swait.ge [sflag:s21], $0x6400  }
0x1e: {  	[sflag:s21] =	ssyncset.done $0x0  }
0x1f: {  	s11 =	simm.s32 $0x6400;
	[sflag:s21] =	ssyncadd.s32 $0xFFFF9C00  }
0x20: {  	[tilespmem:s11], [sflag:$0x1] =	stream.indirect.gather [hbm4b:s4+s17], $0x40, s2, s17, $0xb8;
	[tilespmem:$0x16400] =	vst v63  }
0x21: {  	s16 =	simm.s32 $0x8400  }
0x22: {  	[tilespmem:s16], [sflag:$0x2] =	stream.indirect.gather [hbm4b:s4+s17], $0x40, s17, s17, $0xb8;
	[tilespmem:$0x16400] =	vst v63  }
0x23: {  	s22 =	simm.s32 $0x100;
	s19 =	simm.s32 $0xA400  }
0x24: {  	[tilespmem:s19], [sflag:$0x3] =	stream.indirect.gather [hbm4b:s4+s17], $0x40, s22, s17, $0xb8;
	[tilespmem:$0x16400] =	vst v63  }
0x25: {  	s23 =	simm.s32 $0x180;
	s21 =	simm.s32 $0xC400  }
0x26: {  	[tilespmem:s21], [sflag:$0x4] =	stream.indirect.gather [hbm4b:s4+s17], $0x40, s23, s17, $0xb8;
	[tilespmem:$0x16400] =	vst v63  }
0x27: {  	s25 =	simm.s32 $0x200;
	s23 =	simm.s32 $0xE400  }
0x28: {  	[tilespmem:s23], [sflag:$0x5] =	stream.indirect.gather [hbm4b:s4+s17], $0x40, s25, s17, $0xb8;
	[tilespmem:$0x16400] =	vst v63  }
0x29: {  	s28 =	simm.s32 $0x280;
	s25 =	simm.s32 $0x10400  }
0x2a: {  	[tilespmem:s25], [sflag:$0x6] =	stream.indirect.gather [hbm4b:s4+s17], $0x40, s28, s17, $0xb8;
	[tilespmem:$0x16400] =	vst v63  }
0x2b: {  	s30 =	simm.s32 $0x300;
	s1 =	simm.s32 $0x12400  }
0x2c: {  	[tilespmem:s1], [sflag:$0x7] =	stream.indirect.gather [hbm4b:s4+s17], $0x40, s30, s17, $0xb8;
	[tilespmem:$0x16400] =	vst v63  }
0x2d: {  	s15 =	simm.s32 $0x1;
	s2 =	simm.s32 $0x380;
	s22 =	simm.s32 $0x14400  }
0x2e: {  	[tilespmem:s22], [sflag:$0x8] =	stream.indirect.gather [hbm4b:s4+s17], $0x40, s2, s17, $0xb8;
	[tilespmem:$0x16400] =	vst v63  }
0x2f: {  	_ =	swait.ge [sflag:s15], $0x2000  }
0x30: {  	[sflag:s15] =	ssyncset.done $0x0  }
0x31: {  	s28 =	rddreg [dreg:$0x7];
	[sflag:s15] =	ssyncadd.s32 $0xFFFFE000  }
0x32: {  	s15 =	rddreg [dreg:$0x2]  }
0x33: {  	s30 =	simm.s32 $0x9;
	s2 =	sadd.s32 s15, s28  }
0x34: {  	[hbm4b:s2+s20] =	stream.strided.scatter [tilespmem:s11], [sflag:$0x9], $0x2000, s17, s20, $0x38;
	[tilespmem:$0x16400] =	vst v63  }
0x35: {  	_ =	swait.ge [sflag:s30], $0x2000  }
0x36: {  	[sflag:s30] =	ssyncset.done $0x0  }
0x37: {  	s0 =	simm.s32 $0x400;
	s28 =	simm.s32 $0x2;
	[sflag:s30] =	ssyncadd.s32 $0xFFFFE000  }
0x38: {  	[tilespmem:s11], [sflag:$0x1] =	stream.indirect.gather [hbm4b:s4+s17], $0x40, s0, s17, $0xb8;
	[tilespmem:$0x16400] =	vst v63  }
0x39: {  	_ =	swait.ge [sflag:s28], $0x2000  }
0x3a: {  	s2 =	sadd.s32 s15, s18;
	[sflag:s28] =	ssyncset.done $0x0  }
0x3b: {  	s30 =	sadd.s32 $0x800, s2;
	[sflag:s28] =	ssyncadd.s32 $0xFFFFE000  }
0x3c: {  	[hbm4b:s30+s20] =	stream.strided.scatter [tilespmem:s16], [sflag:$0xA], $0x2000, s17, s20, $0x38;
	[tilespmem:$0x16400] =	vst v63  }
0x3d: {  	_ =	swait.ge [sflag:s26], $0x2000  }
0x3e: {  	[sflag:s26] =	ssyncset.done $0x0  }
0x3f: {  	s0 =	simm.s32 $0x480;
	[sflag:s26] =	ssyncadd.s32 $0xFFFFE000  }
0x40: {  	[tilespmem:s16], [sflag:$0x2] =	stream.indirect.gather [hbm4b:s4+s17], $0x40, s0, s17, $0xb8;
	[tilespmem:$0x16400] =	vst v63  }
0x41: {  	_ =	swait.ge [sflag:s29], $0x2000  }
0x42: {  	s16 =	rddreg [dreg:$0x6];
	[sflag:s29] =	ssyncset.done $0x0  }
0x43: {  	[sflag:s29] =	ssyncadd.s32 $0xFFFFE000;
	s11 =	sadd.s32 s15, s16  }
0x44: {  	[hbm4b:s11+s20] =	stream.strided.scatter [tilespmem:s19], [sflag:$0xB], $0x2000, s17, s20, $0x38;
	[tilespmem:$0x16400] =	vst v63  }
0x45: {  	_ =	swait.ge [sflag:s31], $0x2000  }
0x46: {  	[sflag:s31] =	ssyncset.done $0x0  }
0x47: {  	s28 =	simm.s32 $0x500;
	[sflag:s31] =	ssyncadd.s32 $0xFFFFE000  }
0x48: {  	[tilespmem:s19], [sflag:$0x3] =	stream.indirect.gather [hbm4b:s4+s17], $0x40, s28, s17, $0xb8;
	[tilespmem:$0x16400] =	vst v63  }
0x49: {  	_ =	swait.ge [sflag:s3], $0x2000  }
0x4a: {  	[sflag:s3] =	ssyncset.done $0x0  }
0x4b: {  	s30 =	sadd.s32 $0x1800, s2;
	[sflag:s3] =	ssyncadd.s32 $0xFFFFE000  }
0x4c: {  	[hbm4b:s30+s20] =	stream.strided.scatter [tilespmem:s21], [sflag:$0xC], $0x2000, s17, s20, $0x38;
	[tilespmem:$0x16400] =	vst v63  }
0x4d: {  	_ =	swait.ge [sflag:s5], $0x2000  }
0x4e: {  	[sflag:s5] =	ssyncset.done $0x0  }
0x4f: {  	s0 =	simm.s32 $0x580;
	[sflag:s5] =	ssyncadd.s32 $0xFFFFE000  }
0x50: {  	[tilespmem:s21], [sflag:$0x4] =	stream.indirect.gather [hbm4b:s4+s17], $0x40, s0, s17, $0xb8;
	[tilespmem:$0x16400] =	vst v63  }
0x51: {  	_ =	swait.ge [sflag:s6], $0x2000  }
0x52: {  	s16 =	rddreg [dreg:$0x5];
	[sflag:s6] =	ssyncset.done $0x0  }
0x53: {  	[sflag:s6] =	ssyncadd.s32 $0xFFFFE000;
	s11 =	sadd.s32 s15, s16  }
0x54: {  	[hbm4b:s11+s20] =	stream.strided.scatter [tilespmem:s23], [sflag:$0xD], $0x2000, s17, s20, $0x38;
	[tilespmem:$0x16400] =	vst v63  }
0x55: {  	_ =	swait.ge [sflag:s7], $0x2000  }
0x56: {  	[sflag:s7] =	ssyncset.done $0x0  }
0x57: {  	s19 =	simm.s32 $0x600;
	[sflag:s7] =	ssyncadd.s32 $0xFFFFE000  }
0x58: {  	[tilespmem:s23], [sflag:$0x5] =	stream.indirect.gather [hbm4b:s4+s17], $0x40, s19, s17, $0xb8;
	[tilespmem:$0x16400] =	vst v63  }
0x59: {  	_ =	swait.ge [sflag:s8], $0x2000  }
0x5a: {  	[sflag:s8] =	ssyncset.done $0x0  }
0x5b: {  	s21 =	sadd.s32 $0x2800, s2;
	[sflag:s8] =	ssyncadd.s32 $0xFFFFE000  }
0x5c: {  	[hbm4b:s21+s20] =	stream.strided.scatter [tilespmem:s25], [sflag:$0xE], $0x2000, s17, s20, $0x38;
	[tilespmem:$0x16400] =	vst v63  }
0x5d: {  	_ =	swait.ge [sflag:s9], $0x2000  }
0x5e: {  	[sflag:s9] =	ssyncset.done $0x0  }
0x5f: {  	s23 =	simm.s32 $0x680;
	[sflag:s9] =	ssyncadd.s32 $0xFFFFE000  }
0x60: {  	[tilespmem:s25], [sflag:$0x6] =	stream.indirect.gather [hbm4b:s4+s17], $0x40, s23, s17, $0xb8;
	[tilespmem:$0x16400] =	vst v63  }
0x61: {  	_ =	swait.ge [sflag:s10], $0x2000  }
0x62: {  	s28 =	rddreg [dreg:$0x4];
	[sflag:s10] =	ssyncset.done $0x0  }
0x63: {  	[sflag:s10] =	ssyncadd.s32 $0xFFFFE000;
	s11 =	sadd.s32 s15, s28  }
0x64: {  	[hbm4b:s11+s20] =	stream.strided.scatter [tilespmem:s1], [sflag:$0xF], $0x2000, s17, s20, $0x38;
	[tilespmem:$0x16400] =	vst v63  }
0x65: {  	_ =	swait.ge [sflag:s12], $0x2000  }
0x66: {  	[sflag:s12] =	ssyncset.done $0x0  }
0x67: {  	s30 =	simm.s32 $0x700;
	[sflag:s12] =	ssyncadd.s32 $0xFFFFE000  }
0x68: {  	[tilespmem:s1], [sflag:$0x7] =	stream.indirect.gather [hbm4b:s4+s17], $0x40, s30, s17, $0xb8;
	[tilespmem:$0x16400] =	vst v63  }
0x69: {  	_ =	swait.ge [sflag:s13], $0x2000  }
0x6a: {  	[sflag:s13] =	ssyncset.done $0x0  }
0x6b: {  	s2 =	sadd.s32 $0x3800, s2;
	[sflag:s13] =	ssyncadd.s32 $0xFFFFE000  }
0x6c: {  	[hbm4b:s2+s20] =	stream.strided.scatter [tilespmem:s22], [sflag:$0x10], $0x2000, s17, s20, $0x38;
	[tilespmem:$0x16400] =	vst v63  }
0x6d: {  	_ =	swait.ge [sflag:s14], $0x2000  }
0x6e: {  	s16 =	simm.s32 $0x1000;
	[sflag:s14] =	ssyncset.done $0x0  }
0x6f: {  	s11 =	simm.s32 $0x780;
	s2 =	sadd.s32 $0x4000, s15;
	[sflag:s14] =	ssyncadd.s32 $0xFFFFE000  }
.LBB2_2:
0x70: {  	[tilespmem:s24], [sflag:$0x8] =	stream.indirect.gather [hbm4b:s4+s17], $0x40, s11, s17, $0xb8;
	[tilespmem:$0x16400] =	vst v63  }
0x71: {  	s0 =	simm.s32 $0x1  }
0x72: {  	_ =	swait.ge [sflag:s0], $0x2000  }
0x73: {  	s19 =	simm.s32 $0x6400;
	s15 =	rddreg [dreg:$0x7];
	[sflag:s0] =	ssyncset.done $0x0  }
0x74: {  	s23 =	simm.s32 $0x9;
	[sflag:s0] =	ssyncadd.s32 $0xFFFFE000;
	s15 =	sadd.s32 s2, s15  }
0x75: {  	[hbm4b:s15+s20] =	stream.strided.scatter [tilespmem:s19], [sflag:$0x9], $0x2000, s17, s20, $0x38;
	[tilespmem:$0x16400] =	vst v63  }
0x76: {  	s22 =	smov.u32 s16;
	_ =	swait.ge [sflag:s23], $0x2000  }
0x77: {  	s15 =	sshra.s32 s22, $0x2;
	[sflag:s23] =	ssyncset.done $0x0  }
0x78: {  	s25 =	simm.s32 $0x2;
	s11 =	sadd.s32 $0x400, s15;
	[sflag:s23] =	ssyncadd.s32 $0xFFFFE000  }
0x79: {  	[tilespmem:s19], [sflag:$0x1] =	stream.indirect.gather [hbm4b:s4+s17], $0x40, s11, s17, $0xb8;
	[tilespmem:$0x16400] =	vst v63  }
0x7a: {  	_ =	swait.ge [sflag:s25], $0x2000  }
0x7b: {  	s11 =	sadd.s32 s2, s18;
	[sflag:s25] =	ssyncset.done $0x0  }
0x7c: {  	s1 =	sadd.s32 $0x800, s11;
	[sflag:s25] =	ssyncadd.s32 $0xFFFFE000;
	s25 =	simm.s32 $0x8400  }
0x7d: {  	[hbm4b:s1+s20] =	stream.strided.scatter [tilespmem:s25], [sflag:$0xA], $0x2000, s17, s20, $0x38;
	[tilespmem:$0x16400] =	vst v63  }
0x7e: {  	_ =	swait.ge [sflag:s26], $0x2000  }
0x7f: {  	[sflag:s26] =	ssyncset.done $0x0  }
0x80: {  	s22 =	sadd.s32 $0x480, s15;
	[sflag:s26] =	ssyncadd.s32 $0xFFFFE000  }
0x81: {  	[tilespmem:s25], [sflag:$0x2] =	stream.indirect.gather [hbm4b:s4+s17], $0x40, s22, s17, $0xb8;
	[tilespmem:$0x16400] =	vst v63  }
0x82: {  	_ =	swait.ge [sflag:s29], $0x2000  }
0x83: {  	s28 =	simm.s32 $0xA400;
	s25 =	rddreg [dreg:$0x6];
	[sflag:s29] =	ssyncset.done $0x0  }
0x84: {  	s19 =	smov.u32 s18;
	[sflag:s29] =	ssyncadd.s32 $0xFFFFE000;
	s18 =	sadd.s32 s2, s25  }
0x85: {  	[hbm4b:s18+s20] =	stream.strided.scatter [tilespmem:s28], [sflag:$0xB], $0x2000, s17, s20, $0x38;
	[tilespmem:$0x16400] =	vst v63  }
0x86: {  	_ =	swait.ge [sflag:s31], $0x2000  }
0x87: {  	[sflag:s31] =	ssyncset.done $0x0  }
0x88: {  	s0 =	sadd.s32 $0x500, s15;
	[sflag:s31] =	ssyncadd.s32 $0xFFFFE000  }
0x89: {  	[tilespmem:s28], [sflag:$0x3] =	stream.indirect.gather [hbm4b:s4+s17], $0x40, s0, s17, $0xb8;
	[tilespmem:$0x16400] =	vst v63  }
0x8a: {  	_ =	swait.ge [sflag:s3], $0x2000  }
0x8b: {  	[sflag:s3] =	ssyncset.done $0x0  }
0x8c: {  	s30 =	simm.s32 $0xC400;
	s1 =	sadd.s32 $0x1800, s11;
	[sflag:s3] =	ssyncadd.s32 $0xFFFFE000  }
0x8d: {  	[hbm4b:s1+s20] =	stream.strided.scatter [tilespmem:s30], [sflag:$0xC], $0x2000, s17, s20, $0x38;
	[tilespmem:$0x16400] =	vst v63  }
0x8e: {  	_ =	swait.ge [sflag:s5], $0x2000  }
0x8f: {  	[sflag:s5] =	ssyncset.done $0x0  }
0x90: {  	s22 =	sadd.s32 $0x580, s15;
	[sflag:s5] =	ssyncadd.s32 $0xFFFFE000  }
0x91: {  	[tilespmem:s30], [sflag:$0x4] =	stream.indirect.gather [hbm4b:s4+s17], $0x40, s22, s17, $0xb8;
	[tilespmem:$0x16400] =	vst v63  }
0x92: {  	_ =	swait.ge [sflag:s6], $0x2000  }
0x93: {  	s0 =	rddreg [dreg:$0x5];
	[sflag:s6] =	ssyncset.done $0x0  }
0x94: {  	s1 =	simm.s32 $0xE400;
	[sflag:s6] =	ssyncadd.s32 $0xFFFFE000;
	s18 =	sadd.s32 s2, s0  }
0x95: {  	[hbm4b:s18+s20] =	stream.strided.scatter [tilespmem:s1], [sflag:$0xD], $0x2000, s17, s20, $0x38;
	[tilespmem:$0x16400] =	vst v63  }
0x96: {  	_ =	swait.ge [sflag:s7], $0x2000  }
0x97: {  	[sflag:s7] =	ssyncset.done $0x0  }
0x98: {  	s22 =	sadd.s32 $0x600, s15;
	[sflag:s7] =	ssyncadd.s32 $0xFFFFE000  }
0x99: {  	[tilespmem:s1], [sflag:$0x5] =	stream.indirect.gather [hbm4b:s4+s17], $0x40, s22, s17, $0xb8;
	[tilespmem:$0x16400] =	vst v63  }
0x9a: {  	_ =	swait.ge [sflag:s8], $0x2000  }
0x9b: {  	[sflag:s8] =	ssyncset.done $0x0  }
0x9c: {  	s0 =	sadd.s32 $0x2800, s11;
	s1 =	simm.s32 $0x10400;
	[sflag:s8] =	ssyncadd.s32 $0xFFFFE000  }
0x9d: {  	[hbm4b:s0+s20] =	stream.strided.scatter [tilespmem:s1], [sflag:$0xE], $0x2000, s17, s20, $0x38;
	[tilespmem:$0x16400] =	vst v63  }
0x9e: {  	_ =	swait.ge [sflag:s9], $0x2000  }
0x9f: {  	[sflag:s9] =	ssyncset.done $0x0  }
0xa0: {  	s22 =	sadd.s32 $0x680, s15;
	[sflag:s9] =	ssyncadd.s32 $0xFFFFE000  }
0xa1: {  	[tilespmem:s1], [sflag:$0x6] =	stream.indirect.gather [hbm4b:s4+s17], $0x40, s22, s17, $0xb8;
	[tilespmem:$0x16400] =	vst v63  }
0xa2: {  	_ =	swait.ge [sflag:s10], $0x2000  }
0xa3: {  	s22 =	rddreg [dreg:$0x4];
	[sflag:s10] =	ssyncset.done $0x0  }
0xa4: {  	[sflag:s10] =	ssyncadd.s32 $0xFFFFE000;
	s18 =	sadd.s32 s2, s22;
	s22 =	simm.s32 $0x12400  }
0xa5: {  	[hbm4b:s18+s20] =	stream.strided.scatter [tilespmem:s22], [sflag:$0xF], $0x2000, s17, s20, $0x38;
	[tilespmem:$0x16400] =	vst v63  }
0xa6: {  	_ =	swait.ge [sflag:s12], $0x2000  }
0xa7: {  	p0 =	sne.s32 s16, $0x17000;
	[sflag:s12] =	ssyncset.done $0x0  }
0xa8: {  	s16 =	sadd.s32 $0x1000, s16;
	s18 =	sadd.s32 $0x700, s15;
	[sflag:s12] =	ssyncadd.s32 $0xFFFFE000  }
0xa9: {  	[tilespmem:s22], [sflag:$0x7] =	stream.indirect.gather [hbm4b:s4+s17], $0x40, s18, s17, $0xb8;
	[tilespmem:$0x16400] =	vst v63  }
0xaa: {  	s21 =	simm.s32 $0x6400;
	s23 =	simm.s32 $0x8400;
	_ =	swait.ge [sflag:s13], $0x2000  }
0xab: {  	s25 =	simm.s32 $0xA400;
	s28 =	simm.s32 $0xC400;
	[sflag:s13] =	ssyncset.done $0x0  }
.Ltmp0:
0xac: {  	s11 =	sadd.s32 $0x3800, s11;
	[sflag:s13] =	ssyncadd.s32 $0xFFFFE000;
	(pc) =	sbr.rel @p0 .LBB2_2-.Ltmp0, $4  }
0xad: {  	[hbm4b:s11+s20] =	stream.strided.scatter [tilespmem:s24], [sflag:$0x10], $0x2000, s17, s20, $0x38;
	[tilespmem:$0x16400] =	vst v63  }
0xae: {  	s30 =	simm.s32 $0xE400;
	s0 =	simm.s32 $0x10400;
	_ =	swait.ge [sflag:s14], $0x2000  }
0xaf: {  	s1 =	simm.s32 $0x12400;
	s2 =	sadd.s32 $0x4000, s2;
	[sflag:s14] =	ssyncset.done $0x0  }
0xb0: {  	s18 =	smov.u32 s19;
	s11 =	sadd.s32 $0x780, s15;
	[sflag:s14] =	ssyncadd.s32 $0xFFFFE000  }
0xb1: {  	s15 =	simm.s32 $0x14400;
	s2 =	simm.s32 $0x1  }
0xb2: {  	[tilespmem:s15], [sflag:$0x8] =	stream.indirect.gather [hbm4b:s4+s17], $0x40, s11, s17, $0xb8;
	[tilespmem:$0x16400] =	vst v63  }
0xb3: {  	_ =	swait.ge [sflag:s2], $0x2000  }
0xb4: {  	[sflag:s2] =	ssyncset.done $0x0  }
0xb5: {  	s19 =	rddreg [dreg:$0x9];
	[sflag:s2] =	ssyncadd.s32 $0xFFFFE000  }
0xb6: {  	[hbm4b:s19+s20] =	stream.strided.scatter [tilespmem:s21], [sflag:$0x9], $0x2000, s17, s20, $0x38;
	[tilespmem:$0x16400] =	vst v63  }
0xb7: {  	s21 =	simm.s32 $0x9  }
0xb8: {  	_ =	swait.ge [sflag:s21], $0x2000  }
0xb9: {  	[sflag:s21] =	ssyncset.done $0x0  }
0xba: {  	s22 =	simm.s32 $0x2;
	[sflag:s21] =	ssyncadd.s32 $0xFFFFE000  }
0xbb: {  	_ =	swait.ge [sflag:s22], $0x2000  }
0xbc: {  	[sflag:s22] =	ssyncset.done $0x0  }
0xbd: {  	s11 =	rddreg [dreg:$0xa];
	[sflag:s22] =	ssyncadd.s32 $0xFFFFE000  }
0xbe: {  	[hbm4b:s11+s20] =	stream.strided.scatter [tilespmem:s23], [sflag:$0xA], $0x2000, s17, s20, $0x38;
	[tilespmem:$0x16400] =	vst v63  }
0xbf: {  	_ =	swait.ge [sflag:s26], $0x2000  }
0xc0: {  	[sflag:s26] =	ssyncset.done $0x0  }
0xc1: {  	[sflag:s26] =	ssyncadd.s32 $0xFFFFE000  }
0xc2: {  	_ =	swait.ge [sflag:s29], $0x2000  }
0xc3: {  	[sflag:s29] =	ssyncset.done $0x0  }
0xc4: {  	s16 =	rddreg [dreg:$0xb];
	[sflag:s29] =	ssyncadd.s32 $0xFFFFE000  }
0xc5: {  	[hbm4b:s16+s20] =	stream.strided.scatter [tilespmem:s25], [sflag:$0xB], $0x2000, s17, s20, $0x38;
	[tilespmem:$0x16400] =	vst v63  }
0xc6: {  	_ =	swait.ge [sflag:s31], $0x2000  }
0xc7: {  	[sflag:s31] =	ssyncset.done $0x0  }
0xc8: {  	[sflag:s31] =	ssyncadd.s32 $0xFFFFE000  }
0xc9: {  	_ =	swait.ge [sflag:s3], $0x2000  }
0xca: {  	[sflag:s3] =	ssyncset.done $0x0  }
0xcb: {  	s19 =	rddreg [dreg:$0xc];
	[sflag:s3] =	ssyncadd.s32 $0xFFFFE000  }
0xcc: {  	[hbm4b:s19+s20] =	stream.strided.scatter [tilespmem:s28], [sflag:$0xC], $0x2000, s17, s20, $0x38;
	[tilespmem:$0x16400] =	vst v63  }
0xcd: {  	_ =	swait.ge [sflag:s5], $0x2000  }
0xce: {  	[sflag:s5] =	ssyncset.done $0x0  }
0xcf: {  	[sflag:s5] =	ssyncadd.s32 $0xFFFFE000  }
0xd0: {  	_ =	swait.ge [sflag:s6], $0x2000  }
0xd1: {  	[sflag:s6] =	ssyncset.done $0x0  }
0xd2: {  	s21 =	rddreg [dreg:$0xd];
	[sflag:s6] =	ssyncadd.s32 $0xFFFFE000  }
0xd3: {  	[hbm4b:s21+s20] =	stream.strided.scatter [tilespmem:s30], [sflag:$0xD], $0x2000, s17, s20, $0x38;
	[tilespmem:$0x16400] =	vst v63  }
0xd4: {  	_ =	swait.ge [sflag:s7], $0x2000  }
0xd5: {  	[sflag:s7] =	ssyncset.done $0x0  }
0xd6: {  	[sflag:s7] =	ssyncadd.s32 $0xFFFFE000  }
0xd7: {  	_ =	swait.ge [sflag:s8], $0x2000  }
0xd8: {  	[sflag:s8] =	ssyncset.done $0x0  }
0xd9: {  	s22 =	rddreg [dreg:$0xe];
	[sflag:s8] =	ssyncadd.s32 $0xFFFFE000  }
0xda: {  	[hbm4b:s22+s20] =	stream.strided.scatter [tilespmem:s0], [sflag:$0xE], $0x2000, s17, s20, $0x38;
	[tilespmem:$0x16400] =	vst v63  }
0xdb: {  	_ =	swait.ge [sflag:s9], $0x2000  }
0xdc: {  	[sflag:s9] =	ssyncset.done $0x0  }
0xdd: {  	[sflag:s9] =	ssyncadd.s32 $0xFFFFE000  }
0xde: {  	_ =	swait.ge [sflag:s10], $0x2000  }
0xdf: {  	[sflag:s10] =	ssyncset.done $0x0  }
0xe0: {  	s23 =	rddreg [dreg:$0xf];
	[sflag:s10] =	ssyncadd.s32 $0xFFFFE000  }
0xe1: {  	[hbm4b:s23+s20] =	stream.strided.scatter [tilespmem:s1], [sflag:$0xF], $0x2000, s17, s20, $0x38;
	[tilespmem:$0x16400] =	vst v63  }
0xe2: {  	_ =	swait.ge [sflag:s12], $0x2000  }
0xe3: {  	[sflag:s12] =	ssyncset.done $0x0  }
0xe4: {  	[sflag:s12] =	ssyncadd.s32 $0xFFFFE000  }
0xe5: {  	_ =	swait.ge [sflag:s13], $0x2000  }
0xe6: {  	[sflag:s13] =	ssyncset.done $0x0  }
0xe7: {  	s25 =	rddreg [dreg:$0x10];
	[sflag:s13] =	ssyncadd.s32 $0xFFFFE000  }
0xe8: {  	[hbm4b:s25+s20] =	stream.strided.scatter [tilespmem:s15], [sflag:$0x10], $0x2000, s17, s20, $0x38;
	[tilespmem:$0x16400] =	vst v63  }
0xe9: {  	_ =	swait.ge [sflag:s14], $0x2000  }
0xea: {  	s28 =	rddreg [dreg:$0x12]  }
0xeb: {  	s30 =	rddreg [dreg:$0x11];
	s0 =	sadd.s32 $0x1, s28  }
0xec: {  	p0 =	sne.s32 s0, s30  }
.Ltmp1:
0xed: {  	_ = 	snop;
	(pc) =	sbr.rel @p0 .LBB2_1-.Ltmp1, $3  }
0xee: {  	_ =	sdelay $0x1  }
0xef: {  	[sflag:s14] =	ssyncset.done $0x0  }
0xf0: {  	[sflag:s14] =	ssyncadd.s32 $0xFFFFE000  }
0xf1: {  	_ =	sfence.sel $0x180000  }
0xf2: {  	[bflag:$0x0] =	sbarrier.arrive $0xFFFF  }
0xf3: {  	_ =	strace $0x90000047  }
0xf4: {  	s0 =	stileid.u32;
	[bflag:$0x2] =	sbarrier.arrive $0xFFFF  }
0xf5: {  	p0 =	sne.s32 s0, $0x0;
	s0 =	rddreg [dreg:$0x3]  }
0xf6: {  	s0 =	sadd.s32 @!p0 $0x100000, s0  }
0xf7: {  	[sflag:s0] =	ssyncadd.tile.s32 @!p0 $0x1;
	_ =	shalt  }
.Lfunc_end2:
_tile_overlayer_lowered:
.L_overlay_start_2:
0xf8: {  	(tag) =	ssettag $0x2  }
0xf9: {  	s0 =	rddreg [dreg:$0x0];
	s2 =	stileid.u32  }
0xfa: {  	s1 =	rddreg [dreg:$0x1];
	p0 =	sne.s32 s2, $0x0  }
0xfb: {  	s3 =	rddreg [dreg:$0x2];
	[bflag:$0x3] =	sbarrier.arrive $0xFFFF;
	s2 =	simm.s32 @!p0 $0x1C11  }
0xfc: {  	[timem:s3], [sflag:s2] =	dma.local @!p0 [hbm:s0], s1  }
0xfd: {  	s0 =	simm.s32 @!p0 $0x11  }
0xfe: {  	_ =	swait.ge @!p0 [sflag:s0], s1  }
0xff: {  	s1 =	ssub.s32 @!p0 $0x0, s1;
	[sflag:s0] =	ssyncset.done @!p0 $0x0  }
0x100: {  	[sflag:s0] =	ssyncadd.s32 @!p0 s1  }
0x101: {  	[bflag:$0x3] =	sbarrier.arrive $0xFFFF  }
0x102: {  	_ =	shalt  }

</sc_bundles>
